<compile_context>
chip_gen: v7x
topology: tpu7x:2x2x1
jax: 0.10.2.dev20260603
libtpu: 0.0.44.dev20260713+nightly
codegen_flags: <defaults>
</compile_context>

<pallas_src>
import functools

import jax
import jax.numpy as jnp
from jax import lax
from jax.experimental import pallas as pl
from jax.experimental.pallas import tpu as pltpu
from jax.experimental.pallas import tpu_sc as plsc

N = 50000
D = 256
G = 64
L = 16
NC, NS = 2, 16
NW = NC * NS
CH = 1568
NV = CH // L
K_OVL = (NW * CH - N) // L
NEG = -1e30
B = 2000
NBLK = N // B

_mesh = plsc.VectorSubcoreMesh(core_axis_name="c", subcore_axis_name="s")


def _logits_body(x_ref, w_ref, l_ref):
    l_ref[...] = jnp.dot(x_ref[...], w_ref[...],
                         preferred_element_type=jnp.float32)


def _logits(x, W):
    return pl.pallas_call(
        _logits_body,
        grid=(NBLK,),
        in_specs=[
            pl.BlockSpec((B, D), lambda i: (i, 0)),
            pl.BlockSpec((D, 1), lambda i: (0, 0)),
        ],
        out_specs=pl.BlockSpec((B, 1), lambda i: (i, 0)),
        out_shape=jax.ShapeDtypeStruct((N, 1), jnp.float32),
    )(x, W)


def _tree_max(v, rots):
    for r in rots:
        v = jnp.maximum(v, jnp.take(v, r))
    return v


def _tree_sum(v, rots):
    for r in rots:
        v = v + jnp.take(v, r)
    return v


def _stats_body(l_hbm, seg_hbm, mp_hbm, dp_hbm, lb, segb, mrec, drec):
    w = lax.axis_index("s") * NC + lax.axis_index("c")
    last = w == NW - 1
    base = jnp.where(last, N - CH, w * CH)
    k_lo = jnp.where(last, K_OVL, 0)
    pltpu.sync_copy(l_hbm.at[pl.ds(base, CH)], lb)
    pltpu.sync_copy(seg_hbm.at[pl.ds(base, CH)], segb)

    zeros = jnp.zeros((L,), jnp.float32)
    negv = jnp.full((L,), NEG, jnp.float32)
    for s in range(G):
        mrec[pl.ds(s * L, L)] = negv
        drec[pl.ds(s * L, L)] = zeros

    s_lo = segb[pl.ds(k_lo * L, L)][0]
    s_hi = segb[pl.ds(CH - L, L)][L - 1]
    iota = lax.broadcasted_iota(jnp.int32, (L,), 0)
    rots = [(iota + r) % L for r in (8, 4, 2, 1)]

    def _seg(s, _):
        def _mstep(k, mv):
            sv = segb[pl.ds(k * L, L)]
            lv = lb[pl.ds(k * L, L)]
            return jnp.maximum(mv, jnp.where(sv == s, lv, NEG))

        mv = _tree_max(lax.fori_loop(k_lo, NV, _mstep, negv), rots)

        def _dstep(k, dv):
            sv = segb[pl.ds(k * L, L)]
            lv = lb[pl.ds(k * L, L)]
            return dv + jnp.where(sv == s, jnp.exp(lv - mv), 0.0)

        dv = _tree_sum(lax.fori_loop(k_lo, NV, _dstep, zeros), rots)

        mrec[pl.ds(s * L, L)] = mv
        drec[pl.ds(s * L, L)] = dv
        return 0

    lax.fori_loop(s_lo, s_hi + 1, _seg, 0)

    pltpu.sync_copy(mrec, mp_hbm.at[w])
    pltpu.sync_copy(drec, dp_hbm.at[w])


_stats = functools.partial(
    pl.kernel,
    out_type=(
        jax.ShapeDtypeStruct((NW, G * L), jnp.float32),
        jax.ShapeDtypeStruct((NW, G * L), jnp.float32),
    ),
    mesh=_mesh,
    scratch_types=[
        pltpu.VMEM((CH,), jnp.float32),
        pltpu.VMEM((CH,), jnp.int32),
        pltpu.VMEM((G * L,), jnp.float32),
        pltpu.VMEM((G * L,), jnp.float32),
    ],
)(_stats_body)


def _pool_body(x_ref, seg_ref, l_ref, mp_ref, dp_ref, out_ref,
               m_ref, di_ref, acc_ref):
    i = pl.program_id(0)

    @pl.when(i == 0)
    def _init():
        sel = (lax.broadcasted_iota(jnp.int32, (G * L, G), 0) ==
               lax.broadcasted_iota(jnp.int32, (G * L, G), 1) * L
               ).astype(jnp.float32)
        mp = jnp.dot(mp_ref[...], sel,
                     preferred_element_type=jnp.float32)
        dp = jnp.dot(dp_ref[...], sel,
                     preferred_element_type=jnp.float32)
        m = jnp.max(mp, axis=0, keepdims=True)
        d = jnp.sum(dp * jnp.exp(jnp.minimum(mp - m, 0.0)), axis=0,
                    keepdims=True)
        m_ref[...] = m
        di_ref[...] = 1.0 / (d + 1e-16)
        acc_ref[...] = jnp.zeros(acc_ref.shape, jnp.float32)

    x_blk = x_ref[...]
    l = l_ref[...]
    seg = seg_ref[0, 0, :].reshape(B, 1)
    gids = lax.broadcasted_iota(jnp.int32, (B, G), 1)
    ez = jnp.exp(l - m_ref[...])
    onehot_p = jnp.where(seg == gids, ez, 0.0)
    acc_ref[...] += lax.dot_general(onehot_p, x_blk, (((0,), (0,)), ((), ())),
                                    preferred_element_type=jnp.float32)

    @pl.when(i == pl.num_programs(0) - 1)
    def _finish():
        out_ref[...] = acc_ref[...] * di_ref[...].reshape(G, 1)


def _pool(x, seg3, l, mp, dp):
    return pl.pallas_call(
        _pool_body,
        grid=(NBLK,),
        in_specs=[
            pl.BlockSpec((B, D), lambda i: (i, 0)),
            pl.BlockSpec((1, 1, B), lambda i: (i, 0, 0)),
            pl.BlockSpec((B, 1), lambda i: (i, 0)),
            pl.BlockSpec((NW, G * L), lambda i: (0, 0)),
            pl.BlockSpec((NW, G * L), lambda i: (0, 0)),
        ],
        out_specs=pl.BlockSpec((G, D), lambda i: (0, 0)),
        out_shape=jax.ShapeDtypeStruct((G, D), jnp.float32),
        scratch_shapes=[
            pltpu.VMEM((1, G), jnp.float32),
            pltpu.VMEM((1, G), jnp.float32),
            pltpu.VMEM((G, D), jnp.float32),
        ],
    )(x, seg3, l, mp, dp)


def kernel(x, batch, W, b):
    del b
    seg = batch.astype(jnp.int32)
    l = _logits(x, W)
    mp_rec, dp_rec = _stats(l.reshape(N), seg)
    seg3 = seg.reshape(NBLK, 1, B)
    return _pool(x, seg3, l, mp_rec, dp_rec)

# --- scband reference (transcript-rebuilt; emitter-appended) ---
"""Pipeline reference for scband-attention-pool-28595892256780 (READ-ONLY COPY).

The authoritative reference and input builder live on the scoring server;
editing this copy changes nothing except your own understanding.
"""

import jax, jax.numpy as jnp
import numpy as np

N = 50000
D = 256
G = 64

def setup_inputs(seed: int = 0) -> dict:
    key = jax.random.key(seed)
    kx, kb, kw = jax.random.split(key, 3)
    x = jax.random.normal(kx, (N, D), dtype=jnp.float32)
    batch = jnp.sort(jax.random.randint(kb, (N,), 0, G, dtype=jnp.int64))
    W = jax.random.normal(kw, (D, 1), dtype=jnp.float32) * 0.05
    b = jnp.zeros((1,), dtype=jnp.float32)
    return {"x": x, "batch": batch, "W": W, "b": b}

def reference(x, batch, W, b):
    # gate_logits = Linear(x) -> (N, 1), squeeze to (N,)
    gate_logits = (x @ W + b).squeeze(-1)
    # torch_geometric.utils.softmax over segments defined by `batch`
    seg_max = jax.ops.segment_max(gate_logits, batch, num_segments=G)
    seg_max = jnp.where(jnp.isfinite(seg_max), seg_max, 0.0)
    shifted = gate_logits - seg_max[batch]
    ex = jnp.exp(shifted)
    denom = jax.ops.segment_sum(ex, batch, num_segments=G)
    weights = ex / (denom[batch] + 1e-16)
    # scatter_add of weights * x into (G, D)
    out = jax.ops.segment_sum(weights[:, None] * x, batch, num_segments=G)
    return out

if __name__ == "__main__":
    import jax
    _d = setup_inputs()
    print(jax.jit(kernel)(*tuple(_d.values())))

</pallas_src>

<mosaic_0001>
#map = affine_map<(d0, d1) -> (0)>
#map1 = affine_map<(d0, d1) -> (0, 0)>
module attributes {stable_mosaic.version = 14 : i64} {
  func.func @_stats_body(%arg0: i32, %arg1: i32, %arg2: memref<50000xf32, #tpu.memory_space<hbm>>, %arg3: memref<50000xi32, #tpu.memory_space<hbm>>, %arg4: memref<32x1024xf32, #tpu.memory_space<hbm>>, %arg5: memref<32x1024xf32, #tpu.memory_space<hbm>>, %arg6: memref<1568xf32, #tpu.memory_space<vmem>>, %arg7: memref<1568xi32, #tpu.memory_space<vmem>>, %arg8: memref<1024xf32, #tpu.memory_space<vmem>>, %arg9: memref<1024xf32, #tpu.memory_space<vmem>>) attributes {dimension_semantics = [#tpu.dimension_semantics<core_parallel>, #tpu.dimension_semantics<subcore_parallel>], iteration_bounds = array<i64: 2, 16>, scalar_prefetch = 0 : i64, scratch_operands = 4 : i64, tpu.core_type = #tpu.core_type<sc_vector_subcore>, window_params = [{transform_indices = #map}, {transform_indices = #map}, {transform_indices = #map1}, {transform_indices = #map1}]} {
    %mul3A = arith.constant 2 : i32
    %mul3A_0 = arith.muli %arg1, %mul3A : i32
    %add3A = arith.addi %mul3A_0, %arg0 : i32
    %eq3A = arith.constant 31 : i32
    %eq3A_1 = arith.cmpi eq, %add3A, %eq3A : i32
    %mul3A_2 = arith.constant 1568 : i32
    %mul3A_3 = arith.muli %add3A, %mul3A_2 : i32
    %jit3A = arith.constant 48432 : i32
    %select_n3A = arith.select %eq3A_1, %jit3A, %mul3A_3 : i32
    %jit3A_4 = arith.constant 11 : i32
    %jit3A_5 = arith.constant 0 : i32
    %select_n3A_6 = arith.select %eq3A_1, %jit3A_4, %jit3A_5 : i32
    "tpu.region"() ({
      %run_scoped3A = tpu.sem_alloc : memref<!tpu.dma_semaphore, #tpu.memory_space<semaphore_mem>>
      %dma_start3A = tpu.memref_slice %arg2[%select_n3A] : memref<50000xf32, #tpu.memory_space<hbm>> -> memref<1568xf32, #tpu.memory_space<hbm>>
      %dma_start3A_638 = tpu.memref_slice %arg2[%select_n3A] : memref<50000xf32, #tpu.memory_space<hbm>> -> memref<1568xf32, #tpu.memory_space<hbm>>
      tpu.enqueue_dma source(%dma_start3A_638 : memref<1568xf32, #tpu.memory_space<hbm>>) target(%arg6 : memref<1568xf32, #tpu.memory_space<vmem>>) target_semaphore(%run_scoped3A : memref<!tpu.dma_semaphore, #tpu.memory_space<semaphore_mem>>)
      %dma_wait3A = tpu.memref_slice %arg2[%select_n3A] : memref<50000xf32, #tpu.memory_space<hbm>> -> memref<1568xf32, #tpu.memory_space<hbm>>
      %dma_wait3A_639 = tpu.memref_slice %arg2[%select_n3A] : memref<50000xf32, #tpu.memory_space<hbm>> -> memref<1568xf32, #tpu.memory_space<hbm>>
      tpu.wait_dma2 semaphore(%run_scoped3A : memref<!tpu.dma_semaphore, #tpu.memory_space<semaphore_mem>>) src(%dma_wait3A_639 : memref<1568xf32, #tpu.memory_space<hbm>>) dst(%arg6 : memref<1568xf32, #tpu.memory_space<vmem>>)
      tpu.yield
    }) : () -> ()
    "tpu.region"() ({
      %run_scoped3A = tpu.sem_alloc : memref<!tpu.dma_semaphore, #tpu.memory_space<semaphore_mem>>
      %dma_start3A = tpu.memref_slice %arg3[%select_n3A] : memref<50000xi32, #tpu.memory_space<hbm>> -> memref<1568xi32, #tpu.memory_space<hbm>>
      %dma_start3A_638 = tpu.memref_slice %arg3[%select_n3A] : memref<50000xi32, #tpu.memory_space<hbm>> -> memref<1568xi32, #tpu.memory_space<hbm>>
      tpu.enqueue_dma source(%dma_start3A_638 : memref<1568xi32, #tpu.memory_space<hbm>>) target(%arg7 : memref<1568xi32, #tpu.memory_space<vmem>>) target_semaphore(%run_scoped3A : memref<!tpu.dma_semaphore, #tpu.memory_space<semaphore_mem>>)
      %dma_wait3A = tpu.memref_slice %arg3[%select_n3A] : memref<50000xi32, #tpu.memory_space<hbm>> -> memref<1568xi32, #tpu.memory_space<hbm>>
      %dma_wait3A_639 = tpu.memref_slice %arg3[%select_n3A] : memref<50000xi32, #tpu.memory_space<hbm>> -> memref<1568xi32, #tpu.memory_space<hbm>>
      tpu.wait_dma2 semaphore(%run_scoped3A : memref<!tpu.dma_semaphore, #tpu.memory_space<semaphore_mem>>) src(%dma_wait3A_639 : memref<1568xi32, #tpu.memory_space<hbm>>) dst(%arg7 : memref<1568xi32, #tpu.memory_space<vmem>>)
      tpu.yield
    }) : () -> ()
    %broadcast_in_dim3A = arith.constant 0.000000e+00 : f32
    %broadcast_in_dim3A_7 = vector.broadcast %broadcast_in_dim3A : f32 to vector<16xf32>
    %broadcast_in_dim3A_8 = arith.constant -1.000000e+30 : f32
    %broadcast_in_dim3A_9 = vector.broadcast %broadcast_in_dim3A_8 : f32 to vector<16xf32>
    %swap3A = arith.constant 0 : index
    %swap3A_10 = tpu.vector_load %arg8[%swap3A] {strides = array<i32>} : memref<1024xf32, #tpu.memory_space<vmem>>, vector<16xf32>,
    %swap3A_11 = vector.shape_cast %swap3A_10 : vector<16xf32> to vector<16xf32>
    %swap3A_12 = vector.shape_cast %broadcast_in_dim3A_9 : vector<16xf32> to vector<16xf32>
    tpu.vector_store %arg8[%swap3A], %swap3A_12 {strides = array<i32>} : memref<1024xf32, #tpu.memory_space<vmem>>, vector<16xf32>,
    %swap3A_13 = arith.constant 0 : index
    %swap3A_14 = tpu.vector_load %arg9[%swap3A_13] {strides = array<i32>} : memref<1024xf32, #tpu.memory_space<vmem>>, vector<16xf32>,
    %swap3A_15 = vector.shape_cast %swap3A_14 : vector<16xf32> to vector<16xf32>
    %swap3A_16 = vector.shape_cast %broadcast_in_dim3A_7 : vector<16xf32> to vector<16xf32>
    tpu.vector_store %arg9[%swap3A_13], %swap3A_16 {strides = array<i32>} : memref<1024xf32, #tpu.memory_space<vmem>>, vector<16xf32>,
    %swap3A_17 = arith.constant 16 : index
    %swap3A_18 = tpu.vector_load %arg8[%swap3A_17] {strides = array<i32>} : memref<1024xf32, #tpu.memory_space<vmem>>, vector<16xf32>,
    %swap3A_19 = vector.shape_cast %swap3A_18 : vector<16xf32> to vector<16xf32>
    %swap3A_20 = vector.shape_cast %broadcast_in_dim3A_9 : vector<16xf32> to vector<16xf32>
    tpu.vector_store %arg8[%swap3A_17], %swap3A_20 {strides = array<i32>} : memref<1024xf32, #tpu.memory_space<vmem>>, vector<16xf32>,
    %swap3A_21 = arith.constant 16 : index
    %swap3A_22 = tpu.vector_load %arg9[%swap3A_21] {strides = array<i32>} : memref<1024xf32, #tpu.memory_space<vmem>>, vector<16xf32>,
    %swap3A_23 = vector.shape_cast %swap3A_22 : vector<16xf32> to vector<16xf32>
    %swap3A_24 = vector.shape_cast %broadcast_in_dim3A_7 : vector<16xf32> to vector<16xf32>
    tpu.vector_store %arg9[%swap3A_21], %swap3A_24 {strides = array<i32>} : memref<1024xf32, #tpu.memory_space<vmem>>, vector<16xf32>,
    %swap3A_25 = arith.constant 32 : index
    %swap3A_26 = tpu.vector_load %arg8[%swap3A_25] {strides = array<i32>} : memref<1024xf32, #tpu.memory_space<vmem>>, vector<16xf32>,
    %swap3A_27 = vector.shape_cast %swap3A_26 : vector<16xf32> to vector<16xf32>
    %swap3A_28 = vector.shape_cast %broadcast_in_dim3A_9 : vector<16xf32> to vector<16xf32>
    tpu.vector_store %arg8[%swap3A_25], %swap3A_28 {strides = array<i32>} : memref<1024xf32, #tpu.memory_space<vmem>>, vector<16xf32>,
    %swap3A_29 = arith.constant 32 : index
    %swap3A_30 = tpu.vector_load %arg9[%swap3A_29] {strides = array<i32>} : memref<1024xf32, #tpu.memory_space<vmem>>, vector<16xf32>,
    %swap3A_31 = vector.shape_cast %swap3A_30 : vector<16xf32> to vector<16xf32>
    %swap3A_32 = vector.shape_cast %broadcast_in_dim3A_7 : vector<16xf32> to vector<16xf32>
    tpu.vector_store %arg9[%swap3A_29], %swap3A_32 {strides = array<i32>} : memref<1024xf32, #tpu.memory_space<vmem>>, vector<16xf32>,
    %swap3A_33 = arith.constant 48 : index
    %swap3A_34 = tpu.vector_load %arg8[%swap3A_33] {strides = array<i32>} : memref<1024xf32, #tpu.memory_space<vmem>>, vector<16xf32>,
    %swap3A_35 = vector.shape_cast %swap3A_34 : vector<16xf32> to vector<16xf32>
    %swap3A_36 = vector.shape_cast %broadcast_in_dim3A_9 : vector<16xf32> to vector<16xf32>
    tpu.vector_store %arg8[%swap3A_33], %swap3A_36 {strides = array<i32>} : memref<1024xf32, #tpu.memory_space<vmem>>, vector<16xf32>,
    %swap3A_37 = arith.constant 48 : index
    %swap3A_38 = tpu.vector_load %arg9[%swap3A_37] {strides = array<i32>} : memref<1024xf32, #tpu.memory_space<vmem>>, vector<16xf32>,
    %swap3A_39 = vector.shape_cast %swap3A_38 : vector<16xf32> to vector<16xf32>
    %swap3A_40 = vector.shape_cast %broadcast_in_dim3A_7 : vector<16xf32> to vector<16xf32>
    tpu.vector_store %arg9[%swap3A_37], %swap3A_40 {strides = array<i32>} : memref<1024xf32, #tpu.memory_space<vmem>>, vector<16xf32>,
    %swap3A_41 = arith.constant 64 : index
    %swap3A_42 = tpu.vector_load %arg8[%swap3A_41] {strides = array<i32>} : memref<1024xf32, #tpu.memory_space<vmem>>, vector<16xf32>,
    %swap3A_43 = vector.shape_cast %swap3A_42 : vector<16xf32> to vector<16xf32>
    %swap3A_44 = vector.shape_cast %broadcast_in_dim3A_9 : vector<16xf32> to vector<16xf32>
    tpu.vector_store %arg8[%swap3A_41], %swap3A_44 {strides = array<i32>} : memref<1024xf32, #tpu.memory_space<vmem>>, vector<16xf32>,
    %swap3A_45 = arith.constant 64 : index
    %swap3A_46 = tpu.vector_load %arg9[%swap3A_45] {strides = array<i32>} : memref<1024xf32, #tpu.memory_space<vmem>>, vector<16xf32>,
    %swap3A_47 = vector.shape_cast %swap3A_46 : vector<16xf32> to vector<16xf32>
    %swap3A_48 = vector.shape_cast %broadcast_in_dim3A_7 : vector<16xf32> to vector<16xf32>
    tpu.vector_store %arg9[%swap3A_45], %swap3A_48 {strides = array<i32>} : memref<1024xf32, #tpu.memory_space<vmem>>, vector<16xf32>,
    %swap3A_49 = arith.constant 80 : index
    %swap3A_50 = tpu.vector_load %arg8[%swap3A_49] {strides = array<i32>} : memref<1024xf32, #tpu.memory_space<vmem>>, vector<16xf32>,
    %swap3A_51 = vector.shape_cast %swap3A_50 : vector<16xf32> to vector<16xf32>
    %swap3A_52 = vector.shape_cast %broadcast_in_dim3A_9 : vector<16xf32> to vector<16xf32>
    tpu.vector_store %arg8[%swap3A_49], %swap3A_52 {strides = array<i32>} : memref<1024xf32, #tpu.memory_space<vmem>>, vector<16xf32>,
    %swap3A_53 = arith.constant 80 : index
    %swap3A_54 = tpu.vector_load %arg9[%swap3A_53] {strides = array<i32>} : memref<1024xf32, #tpu.memory_space<vmem>>, vector<16xf32>,
    %swap3A_55 = vector.shape_cast %swap3A_54 : vector<16xf32> to vector<16xf32>
    %swap3A_56 = vector.shape_cast %broadcast_in_dim3A_7 : vector<16xf32> to vector<16xf32>
    tpu.vector_store %arg9[%swap3A_53], %swap3A_56 {strides = array<i32>} : memref<1024xf32, #tpu.memory_space<vmem>>, vector<16xf32>,
    %swap3A_57 = arith.constant 96 : index
    %swap3A_58 = tpu.vector_load %arg8[%swap3A_57] {strides = array<i32>} : memref<1024xf32, #tpu.memory_space<vmem>>, vector<16xf32>,
    %swap3A_59 = vector.shape_cast %swap3A_58 : vector<16xf32> to vector<16xf32>
    %swap3A_60 = vector.shape_cast %broadcast_in_dim3A_9 : vector<16xf32> to vector<16xf32>
    tpu.vector_store %arg8[%swap3A_57], %swap3A_60 {strides = array<i32>} : memref<1024xf32, #tpu.memory_space<vmem>>, vector<16xf32>,
    %swap3A_61 = arith.constant 96 : index
    %swap3A_62 = tpu.vector_load %arg9[%swap3A_61] {strides = array<i32>} : memref<1024xf32, #tpu.memory_space<vmem>>, vector<16xf32>,
    %swap3A_63 = vector.shape_cast %swap3A_62 : vector<16xf32> to vector<16xf32>
    %swap3A_64 = vector.shape_cast %broadcast_in_dim3A_7 : vector<16xf32> to vector<16xf32>
    tpu.vector_store %arg9[%swap3A_61], %swap3A_64 {strides = array<i32>} : memref<1024xf32, #tpu.memory_space<vmem>>, vector<16xf32>,
    %swap3A_65 = arith.constant 112 : index
    %swap3A_66 = tpu.vector_load %arg8[%swap3A_65] {strides = array<i32>} : memref<1024xf32, #tpu.memory_space<vmem>>, vector<16xf32>,
    %swap3A_67 = vector.shape_cast %swap3A_66 : vector<16xf32> to vector<16xf32>
    %swap3A_68 = vector.shape_cast %broadcast_in_dim3A_9 : vector<16xf32> to vector<16xf32>
    tpu.vector_store %arg8[%swap3A_65], %swap3A_68 {strides = array<i32>} : memref<1024xf32, #tpu.memory_space<vmem>>, vector<16xf32>,
    %swap3A_69 = arith.constant 112 : index
    %swap3A_70 = tpu.vector_load %arg9[%swap3A_69] {strides = array<i32>} : memref<1024xf32, #tpu.memory_space<vmem>>, vector<16xf32>,
    %swap3A_71 = vector.shape_cast %swap3A_70 : vector<16xf32> to vector<16xf32>
    %swap3A_72 = vector.shape_cast %broadcast_in_dim3A_7 : vector<16xf32> to vector<16xf32>
    tpu.vector_store %arg9[%swap3A_69], %swap3A_72 {strides = array<i32>} : memref<1024xf32, #tpu.memory_space<vmem>>, vector<16xf32>,
    %swap3A_73 = arith.constant 128 : index
    %swap3A_74 = tpu.vector_load %arg8[%swap3A_73] {strides = array<i32>} : memref<1024xf32, #tpu.memory_space<vmem>>, vector<16xf32>,
    %swap3A_75 = vector.shape_cast %swap3A_74 : vector<16xf32> to vector<16xf32>
    %swap3A_76 = vector.shape_cast %broadcast_in_dim3A_9 : vector<16xf32> to vector<16xf32>
    tpu.vector_store %arg8[%swap3A_73], %swap3A_76 {strides = array<i32>} : memref<1024xf32, #tpu.memory_space<vmem>>, vector<16xf32>,
    %swap3A_77 = arith.constant 128 : index
    %swap3A_78 = tpu.vector_load %arg9[%swap3A_77] {strides = array<i32>} : memref<1024xf32, #tpu.memory_space<vmem>>, vector<16xf32>,
    %swap3A_79 = vector.shape_cast %swap3A_78 : vector<16xf32> to vector<16xf32>
    %swap3A_80 = vector.shape_cast %broadcast_in_dim3A_7 : vector<16xf32> to vector<16xf32>
    tpu.vector_store %arg9[%swap3A_77], %swap3A_80 {strides = array<i32>} : memref<1024xf32, #tpu.memory_space<vmem>>, vector<16xf32>,
    %swap3A_81 = arith.constant 144 : index
    %swap3A_82 = tpu.vector_load %arg8[%swap3A_81] {strides = array<i32>} : memref<1024xf32, #tpu.memory_space<vmem>>, vector<16xf32>,
    %swap3A_83 = vector.shape_cast %swap3A_82 : vector<16xf32> to vector<16xf32>
    %swap3A_84 = vector.shape_cast %broadcast_in_dim3A_9 : vector<16xf32> to vector<16xf32>
    tpu.vector_store %arg8[%swap3A_81], %swap3A_84 {strides = array<i32>} : memref<1024xf32, #tpu.memory_space<vmem>>, vector<16xf32>,
    %swap3A_85 = arith.constant 144 : index
    %swap3A_86 = tpu.vector_load %arg9[%swap3A_85] {strides = array<i32>} : memref<1024xf32, #tpu.memory_space<vmem>>, vector<16xf32>,
    %swap3A_87 = vector.shape_cast %swap3A_86 : vector<16xf32> to vector<16xf32>
    %swap3A_88 = vector.shape_cast %broadcast_in_dim3A_7 : vector<16xf32> to vector<16xf32>
    tpu.vector_store %arg9[%swap3A_85], %swap3A_88 {strides = array<i32>} : memref<1024xf32, #tpu.memory_space<vmem>>, vector<16xf32>,
    %swap3A_89 = arith.constant 160 : index
    %swap3A_90 = tpu.vector_load %arg8[%swap3A_89] {strides = array<i32>} : memref<1024xf32, #tpu.memory_space<vmem>>, vector<16xf32>,
    %swap3A_91 = vector.shape_cast %swap3A_90 : vector<16xf32> to vector<16xf32>
    %swap3A_92 = vector.shape_cast %broadcast_in_dim3A_9 : vector<16xf32> to vector<16xf32>
    tpu.vector_store %arg8[%swap3A_89], %swap3A_92 {strides = array<i32>} : memref<1024xf32, #tpu.memory_space<vmem>>, vector<16xf32>,
    %swap3A_93 = arith.constant 160 : index
    %swap3A_94 = tpu.vector_load %arg9[%swap3A_93] {strides = array<i32>} : memref<1024xf32, #tpu.memory_space<vmem>>, vector<16xf32>,
    %swap3A_95 = vector.shape_cast %swap3A_94 : vector<16xf32> to vector<16xf32>
    %swap3A_96 = vector.shape_cast %broadcast_in_dim3A_7 : vector<16xf32> to vector<16xf32>
    tpu.vector_store %arg9[%swap3A_93], %swap3A_96 {strides = array<i32>} : memref<1024xf32, #tpu.memory_space<vmem>>, vector<16xf32>,
    %swap3A_97 = arith.constant 176 : index
    %swap3A_98 = tpu.vector_load %arg8[%swap3A_97] {strides = array<i32>} : memref<1024xf32, #tpu.memory_space<vmem>>, vector<16xf32>,
    %swap3A_99 = vector.shape_cast %swap3A_98 : vector<16xf32> to vector<16xf32>
    %swap3A_100 = vector.shape_cast %broadcast_in_dim3A_9 : vector<16xf32> to vector<16xf32>
    tpu.vector_store %arg8[%swap3A_97], %swap3A_100 {strides = array<i32>} : memref<1024xf32, #tpu.memory_space<vmem>>, vector<16xf32>,
    %swap3A_101 = arith.constant 176 : index
    %swap3A_102 = tpu.vector_load %arg9[%swap3A_101] {strides = array<i32>} : memref<1024xf32, #tpu.memory_space<vmem>>, vector<16xf32>,
    %swap3A_103 = vector.shape_cast %swap3A_102 : vector<16xf32> to vector<16xf32>
    %swap3A_104 = vector.shape_cast %broadcast_in_dim3A_7 : vector<16xf32> to vector<16xf32>
    tpu.vector_store %arg9[%swap3A_101], %swap3A_104 {strides = array<i32>} : memref<1024xf32, #tpu.memory_space<vmem>>, vector<16xf32>,
    %swap3A_105 = arith.constant 192 : index
    %swap3A_106 = tpu.vector_load %arg8[%swap3A_105] {strides = array<i32>} : memref<1024xf32, #tpu.memory_space<vmem>>, vector<16xf32>,
    %swap3A_107 = vector.shape_cast %swap3A_106 : vector<16xf32> to vector<16xf32>
    %swap3A_108 = vector.shape_cast %broadcast_in_dim3A_9 : vector<16xf32> to vector<16xf32>
    tpu.vector_store %arg8[%swap3A_105], %swap3A_108 {strides = array<i32>} : memref<1024xf32, #tpu.memory_space<vmem>>, vector<16xf32>,
    %swap3A_109 = arith.constant 192 : index
    %swap3A_110 = tpu.vector_load %arg9[%swap3A_109] {strides = array<i32>} : memref<1024xf32, #tpu.memory_space<vmem>>, vector<16xf32>,
    %swap3A_111 = vector.shape_cast %swap3A_110 : vector<16xf32> to vector<16xf32>
    %swap3A_112 = vector.shape_cast %broadcast_in_dim3A_7 : vector<16xf32> to vector<16xf32>
    tpu.vector_store %arg9[%swap3A_109], %swap3A_112 {strides = array<i32>} : memref<1024xf32, #tpu.memory_space<vmem>>, vector<16xf32>,
    %swap3A_113 = arith.constant 208 : index
    %swap3A_114 = tpu.vector_load %arg8[%swap3A_113] {strides = array<i32>} : memref<1024xf32, #tpu.memory_space<vmem>>, vector<16xf32>,
    %swap3A_115 = vector.shape_cast %swap3A_114 : vector<16xf32> to vector<16xf32>
    %swap3A_116 = vector.shape_cast %broadcast_in_dim3A_9 : vector<16xf32> to vector<16xf32>
    tpu.vector_store %arg8[%swap3A_113], %swap3A_116 {strides = array<i32>} : memref<1024xf32, #tpu.memory_space<vmem>>, vector<16xf32>,
    %swap3A_117 = arith.constant 208 : index
    %swap3A_118 = tpu.vector_load %arg9[%swap3A_117] {strides = array<i32>} : memref<1024xf32, #tpu.memory_space<vmem>>, vector<16xf32>,
    %swap3A_119 = vector.shape_cast %swap3A_118 : vector<16xf32> to vector<16xf32>
    %swap3A_120 = vector.shape_cast %broadcast_in_dim3A_7 : vector<16xf32> to vector<16xf32>
    tpu.vector_store %arg9[%swap3A_117], %swap3A_120 {strides = array<i32>} : memref<1024xf32, #tpu.memory_space<vmem>>, vector<16xf32>,
    %swap3A_121 = arith.constant 224 : index
    %swap3A_122 = tpu.vector_load %arg8[%swap3A_121] {strides = array<i32>} : memref<1024xf32, #tpu.memory_space<vmem>>, vector<16xf32>,
    %swap3A_123 = vector.shape_cast %swap3A_122 : vector<16xf32> to vector<16xf32>
    %swap3A_124 = vector.shape_cast %broadcast_in_dim3A_9 : vector<16xf32> to vector<16xf32>
    tpu.vector_store %arg8[%swap3A_121], %swap3A_124 {strides = array<i32>} : memref<1024xf32, #tpu.memory_space<vmem>>, vector<16xf32>,
    %swap3A_125 = arith.constant 224 : index
    %swap3A_126 = tpu.vector_load %arg9[%swap3A_125] {strides = array<i32>} : memref<1024xf32, #tpu.memory_space<vmem>>, vector<16xf32>,
    %swap3A_127 = vector.shape_cast %swap3A_126 : vector<16xf32> to vector<16xf32>
    %swap3A_128 = vector.shape_cast %broadcast_in_dim3A_7 : vector<16xf32> to vector<16xf32>
    tpu.vector_store %arg9[%swap3A_125], %swap3A_128 {strides = array<i32>} : memref<1024xf32, #tpu.memory_space<vmem>>, vector<16xf32>,
    %swap3A_129 = arith.constant 240 : index
    %swap3A_130 = tpu.vector_load %arg8[%swap3A_129] {strides = array<i32>} : memref<1024xf32, #tpu.memory_space<vmem>>, vector<16xf32>,
    %swap3A_131 = vector.shape_cast %swap3A_130 : vector<16xf32> to vector<16xf32>
    %swap3A_132 = vector.shape_cast %broadcast_in_dim3A_9 : vector<16xf32> to vector<16xf32>
    tpu.vector_store %arg8[%swap3A_129], %swap3A_132 {strides = array<i32>} : memref<1024xf32, #tpu.memory_space<vmem>>, vector<16xf32>,
    %swap3A_133 = arith.constant 240 : index
    %swap3A_134 = tpu.vector_load %arg9[%swap3A_133] {strides = array<i32>} : memref<1024xf32, #tpu.memory_space<vmem>>, vector<16xf32>,
    %swap3A_135 = vector.shape_cast %swap3A_134 : vector<16xf32> to vector<16xf32>
    %swap3A_136 = vector.shape_cast %broadcast_in_dim3A_7 : vector<16xf32> to vector<16xf32>
    tpu.vector_store %arg9[%swap3A_133], %swap3A_136 {strides = array<i32>} : memref<1024xf32, #tpu.memory_space<vmem>>, vector<16xf32>,
    %swap3A_137 = arith.constant 256 : index
    %swap3A_138 = tpu.vector_load %arg8[%swap3A_137] {strides = array<i32>} : memref<1024xf32, #tpu.memory_space<vmem>>, vector<16xf32>,
    %swap3A_139 = vector.shape_cast %swap3A_138 : vector<16xf32> to vector<16xf32>
    %swap3A_140 = vector.shape_cast %broadcast_in_dim3A_9 : vector<16xf32> to vector<16xf32>
    tpu.vector_store %arg8[%swap3A_137], %swap3A_140 {strides = array<i32>} : memref<1024xf32, #tpu.memory_space<vmem>>, vector<16xf32>,
    %swap3A_141 = arith.constant 256 : index
    %swap3A_142 = tpu.vector_load %arg9[%swap3A_141] {strides = array<i32>} : memref<1024xf32, #tpu.memory_space<vmem>>, vector<16xf32>,
    %swap3A_143 = vector.shape_cast %swap3A_142 : vector<16xf32> to vector<16xf32>
    %swap3A_144 = vector.shape_cast %broadcast_in_dim3A_7 : vector<16xf32> to vector<16xf32>
    tpu.vector_store %arg9[%swap3A_141], %swap3A_144 {strides = array<i32>} : memref<1024xf32, #tpu.memory_space<vmem>>, vector<16xf32>,
    %swap3A_145 = arith.constant 272 : index
    %swap3A_146 = tpu.vector_load %arg8[%swap3A_145] {strides = array<i32>} : memref<1024xf32, #tpu.memory_space<vmem>>, vector<16xf32>,
    %swap3A_147 = vector.shape_cast %swap3A_146 : vector<16xf32> to vector<16xf32>
    %swap3A_148 = vector.shape_cast %broadcast_in_dim3A_9 : vector<16xf32> to vector<16xf32>
    tpu.vector_store %arg8[%swap3A_145], %swap3A_148 {strides = array<i32>} : memref<1024xf32, #tpu.memory_space<vmem>>, vector<16xf32>,
    %swap3A_149 = arith.constant 272 : index
    %swap3A_150 = tpu.vector_load %arg9[%swap3A_149] {strides = array<i32>} : memref<1024xf32, #tpu.memory_space<vmem>>, vector<16xf32>,
    %swap3A_151 = vector.shape_cast %swap3A_150 : vector<16xf32> to vector<16xf32>
    %swap3A_152 = vector.shape_cast %broadcast_in_dim3A_7 : vector<16xf32> to vector<16xf32>
    tpu.vector_store %arg9[%swap3A_149], %swap3A_152 {strides = array<i32>} : memref<1024xf32, #tpu.memory_space<vmem>>, vector<16xf32>,
    %swap3A_153 = arith.constant 288 : index
    %swap3A_154 = tpu.vector_load %arg8[%swap3A_153] {strides = array<i32>} : memref<1024xf32, #tpu.memory_space<vmem>>, vector<16xf32>,
    %swap3A_155 = vector.shape_cast %swap3A_154 : vector<16xf32> to vector<16xf32>
    %swap3A_156 = vector.shape_cast %broadcast_in_dim3A_9 : vector<16xf32> to vector<16xf32>
    tpu.vector_store %arg8[%swap3A_153], %swap3A_156 {strides = array<i32>} : memref<1024xf32, #tpu.memory_space<vmem>>, vector<16xf32>,
    %swap3A_157 = arith.constant 288 : index
    %swap3A_158 = tpu.vector_load %arg9[%swap3A_157] {strides = array<i32>} : memref<1024xf32, #tpu.memory_space<vmem>>, vector<16xf32>,
    %swap3A_159 = vector.shape_cast %swap3A_158 : vector<16xf32> to vector<16xf32>
    %swap3A_160 = vector.shape_cast %broadcast_in_dim3A_7 : vector<16xf32> to vector<16xf32>
    tpu.vector_store %arg9[%swap3A_157], %swap3A_160 {strides = array<i32>} : memref<1024xf32, #tpu.memory_space<vmem>>, vector<16xf32>,
    %swap3A_161 = arith.constant 304 : index
    %swap3A_162 = tpu.vector_load %arg8[%swap3A_161] {strides = array<i32>} : memref<1024xf32, #tpu.memory_space<vmem>>, vector<16xf32>,
    %swap3A_163 = vector.shape_cast %swap3A_162 : vector<16xf32> to vector<16xf32>
    %swap3A_164 = vector.shape_cast %broadcast_in_dim3A_9 : vector<16xf32> to vector<16xf32>
    tpu.vector_store %arg8[%swap3A_161], %swap3A_164 {strides = array<i32>} : memref<1024xf32, #tpu.memory_space<vmem>>, vector<16xf32>,
    %swap3A_165 = arith.constant 304 : index
    %swap3A_166 = tpu.vector_load %arg9[%swap3A_165] {strides = array<i32>} : memref<1024xf32, #tpu.memory_space<vmem>>, vector<16xf32>,
    %swap3A_167 = vector.shape_cast %swap3A_166 : vector<16xf32> to vector<16xf32>
    %swap3A_168 = vector.shape_cast %broadcast_in_dim3A_7 : vector<16xf32> to vector<16xf32>
    tpu.vector_store %arg9[%swap3A_165], %swap3A_168 {strides = array<i32>} : memref<1024xf32, #tpu.memory_space<vmem>>, vector<16xf32>,
    %swap3A_169 = arith.constant 320 : index
    %swap3A_170 = tpu.vector_load %arg8[%swap3A_169] {strides = array<i32>} : memref<1024xf32, #tpu.memory_space<vmem>>, vector<16xf32>,
    %swap3A_171 = vector.shape_cast %swap3A_170 : vector<16xf32> to vector<16xf32>
    %swap3A_172 = vector.shape_cast %broadcast_in_dim3A_9 : vector<16xf32> to vector<16xf32>
    tpu.vector_store %arg8[%swap3A_169], %swap3A_172 {strides = array<i32>} : memref<1024xf32, #tpu.memory_space<vmem>>, vector<16xf32>,
    %swap3A_173 = arith.constant 320 : index
    %swap3A_174 = tpu.vector_load %arg9[%swap3A_173] {strides = array<i32>} : memref<1024xf32, #tpu.memory_space<vmem>>, vector<16xf32>,
    %swap3A_175 = vector.shape_cast %swap3A_174 : vector<16xf32> to vector<16xf32>
    %swap3A_176 = vector.shape_cast %broadcast_in_dim3A_7 : vector<16xf32> to vector<16xf32>
    tpu.vector_store %arg9[%swap3A_173], %swap3A_176 {strides = array<i32>} : memref<1024xf32, #tpu.memory_space<vmem>>, vector<16xf32>,
    %swap3A_177 = arith.constant 336 : index
    %swap3A_178 = tpu.vector_load %arg8[%swap3A_177] {strides = array<i32>} : memref<1024xf32, #tpu.memory_space<vmem>>, vector<16xf32>,
    %swap3A_179 = vector.shape_cast %swap3A_178 : vector<16xf32> to vector<16xf32>
    %swap3A_180 = vector.shape_cast %broadcast_in_dim3A_9 : vector<16xf32> to vector<16xf32>
    tpu.vector_store %arg8[%swap3A_177], %swap3A_180 {strides = array<i32>} : memref<1024xf32, #tpu.memory_space<vmem>>, vector<16xf32>,
    %swap3A_181 = arith.constant 336 : index
    %swap3A_182 = tpu.vector_load %arg9[%swap3A_181] {strides = array<i32>} : memref<1024xf32, #tpu.memory_space<vmem>>, vector<16xf32>,
    %swap3A_183 = vector.shape_cast %swap3A_182 : vector<16xf32> to vector<16xf32>
    %swap3A_184 = vector.shape_cast %broadcast_in_dim3A_7 : vector<16xf32> to vector<16xf32>
    tpu.vector_store %arg9[%swap3A_181], %swap3A_184 {strides = array<i32>} : memref<1024xf32, #tpu.memory_space<vmem>>, vector<16xf32>,
    %swap3A_185 = arith.constant 352 : index
    %swap3A_186 = tpu.vector_load %arg8[%swap3A_185] {strides = array<i32>} : memref<1024xf32, #tpu.memory_space<vmem>>, vector<16xf32>,
    %swap3A_187 = vector.shape_cast %swap3A_186 : vector<16xf32> to vector<16xf32>
    %swap3A_188 = vector.shape_cast %broadcast_in_dim3A_9 : vector<16xf32> to vector<16xf32>
    tpu.vector_store %arg8[%swap3A_185], %swap3A_188 {strides = array<i32>} : memref<1024xf32, #tpu.memory_space<vmem>>, vector<16xf32>,
    %swap3A_189 = arith.constant 352 : index
    %swap3A_190 = tpu.vector_load %arg9[%swap3A_189] {strides = array<i32>} : memref<1024xf32, #tpu.memory_space<vmem>>, vector<16xf32>,
    %swap3A_191 = vector.shape_cast %swap3A_190 : vector<16xf32> to vector<16xf32>
    %swap3A_192 = vector.shape_cast %broadcast_in_dim3A_7 : vector<16xf32> to vector<16xf32>
    tpu.vector_store %arg9[%swap3A_189], %swap3A_192 {strides = array<i32>} : memref<1024xf32, #tpu.memory_space<vmem>>, vector<16xf32>,
    %swap3A_193 = arith.constant 368 : index
    %swap3A_194 = tpu.vector_load %arg8[%swap3A_193] {strides = array<i32>} : memref<1024xf32, #tpu.memory_space<vmem>>, vector<16xf32>,
    %swap3A_195 = vector.shape_cast %swap3A_194 : vector<16xf32> to vector<16xf32>
    %swap3A_196 = vector.shape_cast %broadcast_in_dim3A_9 : vector<16xf32> to vector<16xf32>
    tpu.vector_store %arg8[%swap3A_193], %swap3A_196 {strides = array<i32>} : memref<1024xf32, #tpu.memory_space<vmem>>, vector<16xf32>,
    %swap3A_197 = arith.constant 368 : index
    %swap3A_198 = tpu.vector_load %arg9[%swap3A_197] {strides = array<i32>} : memref<1024xf32, #tpu.memory_space<vmem>>, vector<16xf32>,
    %swap3A_199 = vector.shape_cast %swap3A_198 : vector<16xf32> to vector<16xf32>
    %swap3A_200 = vector.shape_cast %broadcast_in_dim3A_7 : vector<16xf32> to vector<16xf32>
    tpu.vector_store %arg9[%swap3A_197], %swap3A_200 {strides = array<i32>} : memref<1024xf32, #tpu.memory_space<vmem>>, vector<16xf32>,
    %swap3A_201 = arith.constant 384 : index
    %swap3A_202 = tpu.vector_load %arg8[%swap3A_201] {strides = array<i32>} : memref<1024xf32, #tpu.memory_space<vmem>>, vector<16xf32>,
    %swap3A_203 = vector.shape_cast %swap3A_202 : vector<16xf32> to vector<16xf32>
    %swap3A_204 = vector.shape_cast %broadcast_in_dim3A_9 : vector<16xf32> to vector<16xf32>
    tpu.vector_store %arg8[%swap3A_201], %swap3A_204 {strides = array<i32>} : memref<1024xf32, #tpu.memory_space<vmem>>, vector<16xf32>,
    %swap3A_205 = arith.constant 384 : index
    %swap3A_206 = tpu.vector_load %arg9[%swap3A_205] {strides = array<i32>} : memref<1024xf32, #tpu.memory_space<vmem>>, vector<16xf32>,
    %swap3A_207 = vector.shape_cast %swap3A_206 : vector<16xf32> to vector<16xf32>
    %swap3A_208 = vector.shape_cast %broadcast_in_dim3A_7 : vector<16xf32> to vector<16xf32>
    tpu.vector_store %arg9[%swap3A_205], %swap3A_208 {strides = array<i32>} : memref<1024xf32, #tpu.memory_space<vmem>>, vector<16xf32>,
    %swap3A_209 = arith.constant 400 : index
    %swap3A_210 = tpu.vector_load %arg8[%swap3A_209] {strides = array<i32>} : memref<1024xf32, #tpu.memory_space<vmem>>, vector<16xf32>,
    %swap3A_211 = vector.shape_cast %swap3A_210 : vector<16xf32> to vector<16xf32>
    %swap3A_212 = vector.shape_cast %broadcast_in_dim3A_9 : vector<16xf32> to vector<16xf32>
    tpu.vector_store %arg8[%swap3A_209], %swap3A_212 {strides = array<i32>} : memref<1024xf32, #tpu.memory_space<vmem>>, vector<16xf32>,
    %swap3A_213 = arith.constant 400 : index
    %swap3A_214 = tpu.vector_load %arg9[%swap3A_213] {strides = array<i32>} : memref<1024xf32, #tpu.memory_space<vmem>>, vector<16xf32>,
    %swap3A_215 = vector.shape_cast %swap3A_214 : vector<16xf32> to vector<16xf32>
    %swap3A_216 = vector.shape_cast %broadcast_in_dim3A_7 : vector<16xf32> to vector<16xf32>
    tpu.vector_store %arg9[%swap3A_213], %swap3A_216 {strides = array<i32>} : memref<1024xf32, #tpu.memory_space<vmem>>, vector<16xf32>,
    %swap3A_217 = arith.constant 416 : index
    %swap3A_218 = tpu.vector_load %arg8[%swap3A_217] {strides = array<i32>} : memref<1024xf32, #tpu.memory_space<vmem>>, vector<16xf32>,
    %swap3A_219 = vector.shape_cast %swap3A_218 : vector<16xf32> to vector<16xf32>
    %swap3A_220 = vector.shape_cast %broadcast_in_dim3A_9 : vector<16xf32> to vector<16xf32>
    tpu.vector_store %arg8[%swap3A_217], %swap3A_220 {strides = array<i32>} : memref<1024xf32, #tpu.memory_space<vmem>>, vector<16xf32>,
    %swap3A_221 = arith.constant 416 : index
    %swap3A_222 = tpu.vector_load %arg9[%swap3A_221] {strides = array<i32>} : memref<1024xf32, #tpu.memory_space<vmem>>, vector<16xf32>,
    %swap3A_223 = vector.shape_cast %swap3A_222 : vector<16xf32> to vector<16xf32>
    %swap3A_224 = vector.shape_cast %broadcast_in_dim3A_7 : vector<16xf32> to vector<16xf32>
    tpu.vector_store %arg9[%swap3A_221], %swap3A_224 {strides = array<i32>} : memref<1024xf32, #tpu.memory_space<vmem>>, vector<16xf32>,
    %swap3A_225 = arith.constant 432 : index
    %swap3A_226 = tpu.vector_load %arg8[%swap3A_225] {strides = array<i32>} : memref<1024xf32, #tpu.memory_space<vmem>>, vector<16xf32>,
    %swap3A_227 = vector.shape_cast %swap3A_226 : vector<16xf32> to vector<16xf32>
    %swap3A_228 = vector.shape_cast %broadcast_in_dim3A_9 : vector<16xf32> to vector<16xf32>
    tpu.vector_store %arg8[%swap3A_225], %swap3A_228 {strides = array<i32>} : memref<1024xf32, #tpu.memory_space<vmem>>, vector<16xf32>,
    %swap3A_229 = arith.constant 432 : index
    %swap3A_230 = tpu.vector_load %arg9[%swap3A_229] {strides = array<i32>} : memref<1024xf32, #tpu.memory_space<vmem>>, vector<16xf32>,
    %swap3A_231 = vector.shape_cast %swap3A_230 : vector<16xf32> to vector<16xf32>
    %swap3A_232 = vector.shape_cast %broadcast_in_dim3A_7 : vector<16xf32> to vector<16xf32>
    tpu.vector_store %arg9[%swap3A_229], %swap3A_232 {strides = array<i32>} : memref<1024xf32, #tpu.memory_space<vmem>>, vector<16xf32>,
    %swap3A_233 = arith.constant 448 : index
    %swap3A_234 = tpu.vector_load %arg8[%swap3A_233] {strides = array<i32>} : memref<1024xf32, #tpu.memory_space<vmem>>, vector<16xf32>,
    %swap3A_235 = vector.shape_cast %swap3A_234 : vector<16xf32> to vector<16xf32>
    %swap3A_236 = vector.shape_cast %broadcast_in_dim3A_9 : vector<16xf32> to vector<16xf32>
    tpu.vector_store %arg8[%swap3A_233], %swap3A_236 {strides = array<i32>} : memref<1024xf32, #tpu.memory_space<vmem>>, vector<16xf32>,
    %swap3A_237 = arith.constant 448 : index
    %swap3A_238 = tpu.vector_load %arg9[%swap3A_237] {strides = array<i32>} : memref<1024xf32, #tpu.memory_space<vmem>>, vector<16xf32>,
    %swap3A_239 = vector.shape_cast %swap3A_238 : vector<16xf32> to vector<16xf32>
    %swap3A_240 = vector.shape_cast %broadcast_in_dim3A_7 : vector<16xf32> to vector<16xf32>
    tpu.vector_store %arg9[%swap3A_237], %swap3A_240 {strides = array<i32>} : memref<1024xf32, #tpu.memory_space<vmem>>, vector<16xf32>,
    %swap3A_241 = arith.constant 464 : index
    %swap3A_242 = tpu.vector_load %arg8[%swap3A_241] {strides = array<i32>} : memref<1024xf32, #tpu.memory_space<vmem>>, vector<16xf32>,
    %swap3A_243 = vector.shape_cast %swap3A_242 : vector<16xf32> to vector<16xf32>
    %swap3A_244 = vector.shape_cast %broadcast_in_dim3A_9 : vector<16xf32> to vector<16xf32>
    tpu.vector_store %arg8[%swap3A_241], %swap3A_244 {strides = array<i32>} : memref<1024xf32, #tpu.memory_space<vmem>>, vector<16xf32>,
    %swap3A_245 = arith.constant 464 : index
    %swap3A_246 = tpu.vector_load %arg9[%swap3A_245] {strides = array<i32>} : memref<1024xf32, #tpu.memory_space<vmem>>, vector<16xf32>,
    %swap3A_247 = vector.shape_cast %swap3A_246 : vector<16xf32> to vector<16xf32>
    %swap3A_248 = vector.shape_cast %broadcast_in_dim3A_7 : vector<16xf32> to vector<16xf32>
    tpu.vector_store %arg9[%swap3A_245], %swap3A_248 {strides = array<i32>} : memref<1024xf32, #tpu.memory_space<vmem>>, vector<16xf32>,
    %swap3A_249 = arith.constant 480 : index
    %swap3A_250 = tpu.vector_load %arg8[%swap3A_249] {strides = array<i32>} : memref<1024xf32, #tpu.memory_space<vmem>>, vector<16xf32>,
    %swap3A_251 = vector.shape_cast %swap3A_250 : vector<16xf32> to vector<16xf32>
    %swap3A_252 = vector.shape_cast %broadcast_in_dim3A_9 : vector<16xf32> to vector<16xf32>
    tpu.vector_store %arg8[%swap3A_249], %swap3A_252 {strides = array<i32>} : memref<1024xf32, #tpu.memory_space<vmem>>, vector<16xf32>,
    %swap3A_253 = arith.constant 480 : index
    %swap3A_254 = tpu.vector_load %arg9[%swap3A_253] {strides = array<i32>} : memref<1024xf32, #tpu.memory_space<vmem>>, vector<16xf32>,
    %swap3A_255 = vector.shape_cast %swap3A_254 : vector<16xf32> to vector<16xf32>
    %swap3A_256 = vector.shape_cast %broadcast_in_dim3A_7 : vector<16xf32> to vector<16xf32>
    tpu.vector_store %arg9[%swap3A_253], %swap3A_256 {strides = array<i32>} : memref<1024xf32, #tpu.memory_space<vmem>>, vector<16xf32>,
    %swap3A_257 = arith.constant 496 : index
    %swap3A_258 = tpu.vector_load %arg8[%swap3A_257] {strides = array<i32>} : memref<1024xf32, #tpu.memory_space<vmem>>, vector<16xf32>,
    %swap3A_259 = vector.shape_cast %swap3A_258 : vector<16xf32> to vector<16xf32>
    %swap3A_260 = vector.shape_cast %broadcast_in_dim3A_9 : vector<16xf32> to vector<16xf32>
    tpu.vector_store %arg8[%swap3A_257], %swap3A_260 {strides = array<i32>} : memref<1024xf32, #tpu.memory_space<vmem>>, vector<16xf32>,
    %swap3A_261 = arith.constant 496 : index
    %swap3A_262 = tpu.vector_load %arg9[%swap3A_261] {strides = array<i32>} : memref<1024xf32, #tpu.memory_space<vmem>>, vector<16xf32>,
    %swap3A_263 = vector.shape_cast %swap3A_262 : vector<16xf32> to vector<16xf32>
    %swap3A_264 = vector.shape_cast %broadcast_in_dim3A_7 : vector<16xf32> to vector<16xf32>
    tpu.vector_store %arg9[%swap3A_261], %swap3A_264 {strides = array<i32>} : memref<1024xf32, #tpu.memory_space<vmem>>, vector<16xf32>,
    %swap3A_265 = arith.constant 512 : index
    %swap3A_266 = tpu.vector_load %arg8[%swap3A_265] {strides = array<i32>} : memref<1024xf32, #tpu.memory_space<vmem>>, vector<16xf32>,
    %swap3A_267 = vector.shape_cast %swap3A_266 : vector<16xf32> to vector<16xf32>
    %swap3A_268 = vector.shape_cast %broadcast_in_dim3A_9 : vector<16xf32> to vector<16xf32>
    tpu.vector_store %arg8[%swap3A_265], %swap3A_268 {strides = array<i32>} : memref<1024xf32, #tpu.memory_space<vmem>>, vector<16xf32>,
    %swap3A_269 = arith.constant 512 : index
    %swap3A_270 = tpu.vector_load %arg9[%swap3A_269] {strides = array<i32>} : memref<1024xf32, #tpu.memory_space<vmem>>, vector<16xf32>,
    %swap3A_271 = vector.shape_cast %swap3A_270 : vector<16xf32> to vector<16xf32>
    %swap3A_272 = vector.shape_cast %broadcast_in_dim3A_7 : vector<16xf32> to vector<16xf32>
    tpu.vector_store %arg9[%swap3A_269], %swap3A_272 {strides = array<i32>} : memref<1024xf32, #tpu.memory_space<vmem>>, vector<16xf32>,
    %swap3A_273 = arith.constant 528 : index
    %swap3A_274 = tpu.vector_load %arg8[%swap3A_273] {strides = array<i32>} : memref<1024xf32, #tpu.memory_space<vmem>>, vector<16xf32>,
    %swap3A_275 = vector.shape_cast %swap3A_274 : vector<16xf32> to vector<16xf32>
    %swap3A_276 = vector.shape_cast %broadcast_in_dim3A_9 : vector<16xf32> to vector<16xf32>
    tpu.vector_store %arg8[%swap3A_273], %swap3A_276 {strides = array<i32>} : memref<1024xf32, #tpu.memory_space<vmem>>, vector<16xf32>,
    %swap3A_277 = arith.constant 528 : index
    %swap3A_278 = tpu.vector_load %arg9[%swap3A_277] {strides = array<i32>} : memref<1024xf32, #tpu.memory_space<vmem>>, vector<16xf32>,
    %swap3A_279 = vector.shape_cast %swap3A_278 : vector<16xf32> to vector<16xf32>
    %swap3A_280 = vector.shape_cast %broadcast_in_dim3A_7 : vector<16xf32> to vector<16xf32>
    tpu.vector_store %arg9[%swap3A_277], %swap3A_280 {strides = array<i32>} : memref<1024xf32, #tpu.memory_space<vmem>>, vector<16xf32>,
    %swap3A_281 = arith.constant 544 : index
    %swap3A_282 = tpu.vector_load %arg8[%swap3A_281] {strides = array<i32>} : memref<1024xf32, #tpu.memory_space<vmem>>, vector<16xf32>,
    %swap3A_283 = vector.shape_cast %swap3A_282 : vector<16xf32> to vector<16xf32>
    %swap3A_284 = vector.shape_cast %broadcast_in_dim3A_9 : vector<16xf32> to vector<16xf32>
    tpu.vector_store %arg8[%swap3A_281], %swap3A_284 {strides = array<i32>} : memref<1024xf32, #tpu.memory_space<vmem>>, vector<16xf32>,
    %swap3A_285 = arith.constant 544 : index
    %swap3A_286 = tpu.vector_load %arg9[%swap3A_285] {strides = array<i32>} : memref<1024xf32, #tpu.memory_space<vmem>>, vector<16xf32>,
    %swap3A_287 = vector.shape_cast %swap3A_286 : vector<16xf32> to vector<16xf32>
    %swap3A_288 = vector.shape_cast %broadcast_in_dim3A_7 : vector<16xf32> to vector<16xf32>
    tpu.vector_store %arg9[%swap3A_285], %swap3A_288 {strides = array<i32>} : memref<1024xf32, #tpu.memory_space<vmem>>, vector<16xf32>,
    %swap3A_289 = arith.constant 560 : index
    %swap3A_290 = tpu.vector_load %arg8[%swap3A_289] {strides = array<i32>} : memref<1024xf32, #tpu.memory_space<vmem>>, vector<16xf32>,
    %swap3A_291 = vector.shape_cast %swap3A_290 : vector<16xf32> to vector<16xf32>
    %swap3A_292 = vector.shape_cast %broadcast_in_dim3A_9 : vector<16xf32> to vector<16xf32>
    tpu.vector_store %arg8[%swap3A_289], %swap3A_292 {strides = array<i32>} : memref<1024xf32, #tpu.memory_space<vmem>>, vector<16xf32>,
    %swap3A_293 = arith.constant 560 : index
    %swap3A_294 = tpu.vector_load %arg9[%swap3A_293] {strides = array<i32>} : memref<1024xf32, #tpu.memory_space<vmem>>, vector<16xf32>,
    %swap3A_295 = vector.shape_cast %swap3A_294 : vector<16xf32> to vector<16xf32>
    %swap3A_296 = vector.shape_cast %broadcast_in_dim3A_7 : vector<16xf32> to vector<16xf32>
    tpu.vector_store %arg9[%swap3A_293], %swap3A_296 {strides = array<i32>} : memref<1024xf32, #tpu.memory_space<vmem>>, vector<16xf32>,
    %swap3A_297 = arith.constant 576 : index
    %swap3A_298 = tpu.vector_load %arg8[%swap3A_297] {strides = array<i32>} : memref<1024xf32, #tpu.memory_space<vmem>>, vector<16xf32>,
    %swap3A_299 = vector.shape_cast %swap3A_298 : vector<16xf32> to vector<16xf32>
    %swap3A_300 = vector.shape_cast %broadcast_in_dim3A_9 : vector<16xf32> to vector<16xf32>
    tpu.vector_store %arg8[%swap3A_297], %swap3A_300 {strides = array<i32>} : memref<1024xf32, #tpu.memory_space<vmem>>, vector<16xf32>,
    %swap3A_301 = arith.constant 576 : index
    %swap3A_302 = tpu.vector_load %arg9[%swap3A_301] {strides = array<i32>} : memref<1024xf32, #tpu.memory_space<vmem>>, vector<16xf32>,
    %swap3A_303 = vector.shape_cast %swap3A_302 : vector<16xf32> to vector<16xf32>
    %swap3A_304 = vector.shape_cast %broadcast_in_dim3A_7 : vector<16xf32> to vector<16xf32>
    tpu.vector_store %arg9[%swap3A_301], %swap3A_304 {strides = array<i32>} : memref<1024xf32, #tpu.memory_space<vmem>>, vector<16xf32>,
    %swap3A_305 = arith.constant 592 : index
    %swap3A_306 = tpu.vector_load %arg8[%swap3A_305] {strides = array<i32>} : memref<1024xf32, #tpu.memory_space<vmem>>, vector<16xf32>,
    %swap3A_307 = vector.shape_cast %swap3A_306 : vector<16xf32> to vector<16xf32>
    %swap3A_308 = vector.shape_cast %broadcast_in_dim3A_9 : vector<16xf32> to vector<16xf32>
    tpu.vector_store %arg8[%swap3A_305], %swap3A_308 {strides = array<i32>} : memref<1024xf32, #tpu.memory_space<vmem>>, vector<16xf32>,
    %swap3A_309 = arith.constant 592 : index
    %swap3A_310 = tpu.vector_load %arg9[%swap3A_309] {strides = array<i32>} : memref<1024xf32, #tpu.memory_space<vmem>>, vector<16xf32>,
    %swap3A_311 = vector.shape_cast %swap3A_310 : vector<16xf32> to vector<16xf32>
    %swap3A_312 = vector.shape_cast %broadcast_in_dim3A_7 : vector<16xf32> to vector<16xf32>
    tpu.vector_store %arg9[%swap3A_309], %swap3A_312 {strides = array<i32>} : memref<1024xf32, #tpu.memory_space<vmem>>, vector<16xf32>,
    %swap3A_313 = arith.constant 608 : index
    %swap3A_314 = tpu.vector_load %arg8[%swap3A_313] {strides = array<i32>} : memref<1024xf32, #tpu.memory_space<vmem>>, vector<16xf32>,
    %swap3A_315 = vector.shape_cast %swap3A_314 : vector<16xf32> to vector<16xf32>
    %swap3A_316 = vector.shape_cast %broadcast_in_dim3A_9 : vector<16xf32> to vector<16xf32>
    tpu.vector_store %arg8[%swap3A_313], %swap3A_316 {strides = array<i32>} : memref<1024xf32, #tpu.memory_space<vmem>>, vector<16xf32>,
    %swap3A_317 = arith.constant 608 : index
    %swap3A_318 = tpu.vector_load %arg9[%swap3A_317] {strides = array<i32>} : memref<1024xf32, #tpu.memory_space<vmem>>, vector<16xf32>,
    %swap3A_319 = vector.shape_cast %swap3A_318 : vector<16xf32> to vector<16xf32>
    %swap3A_320 = vector.shape_cast %broadcast_in_dim3A_7 : vector<16xf32> to vector<16xf32>
    tpu.vector_store %arg9[%swap3A_317], %swap3A_320 {strides = array<i32>} : memref<1024xf32, #tpu.memory_space<vmem>>, vector<16xf32>,
    %swap3A_321 = arith.constant 624 : index
    %swap3A_322 = tpu.vector_load %arg8[%swap3A_321] {strides = array<i32>} : memref<1024xf32, #tpu.memory_space<vmem>>, vector<16xf32>,
    %swap3A_323 = vector.shape_cast %swap3A_322 : vector<16xf32> to vector<16xf32>
    %swap3A_324 = vector.shape_cast %broadcast_in_dim3A_9 : vector<16xf32> to vector<16xf32>
    tpu.vector_store %arg8[%swap3A_321], %swap3A_324 {strides = array<i32>} : memref<1024xf32, #tpu.memory_space<vmem>>, vector<16xf32>,
    %swap3A_325 = arith.constant 624 : index
    %swap3A_326 = tpu.vector_load %arg9[%swap3A_325] {strides = array<i32>} : memref<1024xf32, #tpu.memory_space<vmem>>, vector<16xf32>,
    %swap3A_327 = vector.shape_cast %swap3A_326 : vector<16xf32> to vector<16xf32>
    %swap3A_328 = vector.shape_cast %broadcast_in_dim3A_7 : vector<16xf32> to vector<16xf32>
    tpu.vector_store %arg9[%swap3A_325], %swap3A_328 {strides = array<i32>} : memref<1024xf32, #tpu.memory_space<vmem>>, vector<16xf32>,
    %swap3A_329 = arith.constant 640 : index
    %swap3A_330 = tpu.vector_load %arg8[%swap3A_329] {strides = array<i32>} : memref<1024xf32, #tpu.memory_space<vmem>>, vector<16xf32>,
    %swap3A_331 = vector.shape_cast %swap3A_330 : vector<16xf32> to vector<16xf32>
    %swap3A_332 = vector.shape_cast %broadcast_in_dim3A_9 : vector<16xf32> to vector<16xf32>
    tpu.vector_store %arg8[%swap3A_329], %swap3A_332 {strides = array<i32>} : memref<1024xf32, #tpu.memory_space<vmem>>, vector<16xf32>,
    %swap3A_333 = arith.constant 640 : index
    %swap3A_334 = tpu.vector_load %arg9[%swap3A_333] {strides = array<i32>} : memref<1024xf32, #tpu.memory_space<vmem>>, vector<16xf32>,
    %swap3A_335 = vector.shape_cast %swap3A_334 : vector<16xf32> to vector<16xf32>
    %swap3A_336 = vector.shape_cast %broadcast_in_dim3A_7 : vector<16xf32> to vector<16xf32>
    tpu.vector_store %arg9[%swap3A_333], %swap3A_336 {strides = array<i32>} : memref<1024xf32, #tpu.memory_space<vmem>>, vector<16xf32>,
    %swap3A_337 = arith.constant 656 : index
    %swap3A_338 = tpu.vector_load %arg8[%swap3A_337] {strides = array<i32>} : memref<1024xf32, #tpu.memory_space<vmem>>, vector<16xf32>,
    %swap3A_339 = vector.shape_cast %swap3A_338 : vector<16xf32> to vector<16xf32>
    %swap3A_340 = vector.shape_cast %broadcast_in_dim3A_9 : vector<16xf32> to vector<16xf32>
    tpu.vector_store %arg8[%swap3A_337], %swap3A_340 {strides = array<i32>} : memref<1024xf32, #tpu.memory_space<vmem>>, vector<16xf32>,
    %swap3A_341 = arith.constant 656 : index
    %swap3A_342 = tpu.vector_load %arg9[%swap3A_341] {strides = array<i32>} : memref<1024xf32, #tpu.memory_space<vmem>>, vector<16xf32>,
    %swap3A_343 = vector.shape_cast %swap3A_342 : vector<16xf32> to vector<16xf32>
    %swap3A_344 = vector.shape_cast %broadcast_in_dim3A_7 : vector<16xf32> to vector<16xf32>
    tpu.vector_store %arg9[%swap3A_341], %swap3A_344 {strides = array<i32>} : memref<1024xf32, #tpu.memory_space<vmem>>, vector<16xf32>,
    %swap3A_345 = arith.constant 672 : index
    %swap3A_346 = tpu.vector_load %arg8[%swap3A_345] {strides = array<i32>} : memref<1024xf32, #tpu.memory_space<vmem>>, vector<16xf32>,
    %swap3A_347 = vector.shape_cast %swap3A_346 : vector<16xf32> to vector<16xf32>
    %swap3A_348 = vector.shape_cast %broadcast_in_dim3A_9 : vector<16xf32> to vector<16xf32>
    tpu.vector_store %arg8[%swap3A_345], %swap3A_348 {strides = array<i32>} : memref<1024xf32, #tpu.memory_space<vmem>>, vector<16xf32>,
    %swap3A_349 = arith.constant 672 : index
    %swap3A_350 = tpu.vector_load %arg9[%swap3A_349] {strides = array<i32>} : memref<1024xf32, #tpu.memory_space<vmem>>, vector<16xf32>,
    %swap3A_351 = vector.shape_cast %swap3A_350 : vector<16xf32> to vector<16xf32>
    %swap3A_352 = vector.shape_cast %broadcast_in_dim3A_7 : vector<16xf32> to vector<16xf32>
    tpu.vector_store %arg9[%swap3A_349], %swap3A_352 {strides = array<i32>} : memref<1024xf32, #tpu.memory_space<vmem>>, vector<16xf32>,
    %swap3A_353 = arith.constant 688 : index
    %swap3A_354 = tpu.vector_load %arg8[%swap3A_353] {strides = array<i32>} : memref<1024xf32, #tpu.memory_space<vmem>>, vector<16xf32>,
    %swap3A_355 = vector.shape_cast %swap3A_354 : vector<16xf32> to vector<16xf32>
    %swap3A_356 = vector.shape_cast %broadcast_in_dim3A_9 : vector<16xf32> to vector<16xf32>
    tpu.vector_store %arg8[%swap3A_353], %swap3A_356 {strides = array<i32>} : memref<1024xf32, #tpu.memory_space<vmem>>, vector<16xf32>,
    %swap3A_357 = arith.constant 688 : index
    %swap3A_358 = tpu.vector_load %arg9[%swap3A_357] {strides = array<i32>} : memref<1024xf32, #tpu.memory_space<vmem>>, vector<16xf32>,
    %swap3A_359 = vector.shape_cast %swap3A_358 : vector<16xf32> to vector<16xf32>
    %swap3A_360 = vector.shape_cast %broadcast_in_dim3A_7 : vector<16xf32> to vector<16xf32>
    tpu.vector_store %arg9[%swap3A_357], %swap3A_360 {strides = array<i32>} : memref<1024xf32, #tpu.memory_space<vmem>>, vector<16xf32>,
    %swap3A_361 = arith.constant 704 : index
    %swap3A_362 = tpu.vector_load %arg8[%swap3A_361] {strides = array<i32>} : memref<1024xf32, #tpu.memory_space<vmem>>, vector<16xf32>,
    %swap3A_363 = vector.shape_cast %swap3A_362 : vector<16xf32> to vector<16xf32>
    %swap3A_364 = vector.shape_cast %broadcast_in_dim3A_9 : vector<16xf32> to vector<16xf32>
    tpu.vector_store %arg8[%swap3A_361], %swap3A_364 {strides = array<i32>} : memref<1024xf32, #tpu.memory_space<vmem>>, vector<16xf32>,
    %swap3A_365 = arith.constant 704 : index
    %swap3A_366 = tpu.vector_load %arg9[%swap3A_365] {strides = array<i32>} : memref<1024xf32, #tpu.memory_space<vmem>>, vector<16xf32>,
    %swap3A_367 = vector.shape_cast %swap3A_366 : vector<16xf32> to vector<16xf32>
    %swap3A_368 = vector.shape_cast %broadcast_in_dim3A_7 : vector<16xf32> to vector<16xf32>
    tpu.vector_store %arg9[%swap3A_365], %swap3A_368 {strides = array<i32>} : memref<1024xf32, #tpu.memory_space<vmem>>, vector<16xf32>,
    %swap3A_369 = arith.constant 720 : index
    %swap3A_370 = tpu.vector_load %arg8[%swap3A_369] {strides = array<i32>} : memref<1024xf32, #tpu.memory_space<vmem>>, vector<16xf32>,
    %swap3A_371 = vector.shape_cast %swap3A_370 : vector<16xf32> to vector<16xf32>
    %swap3A_372 = vector.shape_cast %broadcast_in_dim3A_9 : vector<16xf32> to vector<16xf32>
    tpu.vector_store %arg8[%swap3A_369], %swap3A_372 {strides = array<i32>} : memref<1024xf32, #tpu.memory_space<vmem>>, vector<16xf32>,
    %swap3A_373 = arith.constant 720 : index
    %swap3A_374 = tpu.vector_load %arg9[%swap3A_373] {strides = array<i32>} : memref<1024xf32, #tpu.memory_space<vmem>>, vector<16xf32>,
    %swap3A_375 = vector.shape_cast %swap3A_374 : vector<16xf32> to vector<16xf32>
    %swap3A_376 = vector.shape_cast %broadcast_in_dim3A_7 : vector<16xf32> to vector<16xf32>
    tpu.vector_store %arg9[%swap3A_373], %swap3A_376 {strides = array<i32>} : memref<1024xf32, #tpu.memory_space<vmem>>, vector<16xf32>,
    %swap3A_377 = arith.constant 736 : index
    %swap3A_378 = tpu.vector_load %arg8[%swap3A_377] {strides = array<i32>} : memref<1024xf32, #tpu.memory_space<vmem>>, vector<16xf32>,
    %swap3A_379 = vector.shape_cast %swap3A_378 : vector<16xf32> to vector<16xf32>
    %swap3A_380 = vector.shape_cast %broadcast_in_dim3A_9 : vector<16xf32> to vector<16xf32>
    tpu.vector_store %arg8[%swap3A_377], %swap3A_380 {strides = array<i32>} : memref<1024xf32, #tpu.memory_space<vmem>>, vector<16xf32>,
    %swap3A_381 = arith.constant 736 : index
    %swap3A_382 = tpu.vector_load %arg9[%swap3A_381] {strides = array<i32>} : memref<1024xf32, #tpu.memory_space<vmem>>, vector<16xf32>,
    %swap3A_383 = vector.shape_cast %swap3A_382 : vector<16xf32> to vector<16xf32>
    %swap3A_384 = vector.shape_cast %broadcast_in_dim3A_7 : vector<16xf32> to vector<16xf32>
    tpu.vector_store %arg9[%swap3A_381], %swap3A_384 {strides = array<i32>} : memref<1024xf32, #tpu.memory_space<vmem>>, vector<16xf32>,
    %swap3A_385 = arith.constant 752 : index
    %swap3A_386 = tpu.vector_load %arg8[%swap3A_385] {strides = array<i32>} : memref<1024xf32, #tpu.memory_space<vmem>>, vector<16xf32>,
    %swap3A_387 = vector.shape_cast %swap3A_386 : vector<16xf32> to vector<16xf32>
    %swap3A_388 = vector.shape_cast %broadcast_in_dim3A_9 : vector<16xf32> to vector<16xf32>
    tpu.vector_store %arg8[%swap3A_385], %swap3A_388 {strides = array<i32>} : memref<1024xf32, #tpu.memory_space<vmem>>, vector<16xf32>,
    %swap3A_389 = arith.constant 752 : index
    %swap3A_390 = tpu.vector_load %arg9[%swap3A_389] {strides = array<i32>} : memref<1024xf32, #tpu.memory_space<vmem>>, vector<16xf32>,
    %swap3A_391 = vector.shape_cast %swap3A_390 : vector<16xf32> to vector<16xf32>
    %swap3A_392 = vector.shape_cast %broadcast_in_dim3A_7 : vector<16xf32> to vector<16xf32>
    tpu.vector_store %arg9[%swap3A_389], %swap3A_392 {strides = array<i32>} : memref<1024xf32, #tpu.memory_space<vmem>>, vector<16xf32>,
    %swap3A_393 = arith.constant 768 : index
    %swap3A_394 = tpu.vector_load %arg8[%swap3A_393] {strides = array<i32>} : memref<1024xf32, #tpu.memory_space<vmem>>, vector<16xf32>,
    %swap3A_395 = vector.shape_cast %swap3A_394 : vector<16xf32> to vector<16xf32>
    %swap3A_396 = vector.shape_cast %broadcast_in_dim3A_9 : vector<16xf32> to vector<16xf32>
    tpu.vector_store %arg8[%swap3A_393], %swap3A_396 {strides = array<i32>} : memref<1024xf32, #tpu.memory_space<vmem>>, vector<16xf32>,
    %swap3A_397 = arith.constant 768 : index
    %swap3A_398 = tpu.vector_load %arg9[%swap3A_397] {strides = array<i32>} : memref<1024xf32, #tpu.memory_space<vmem>>, vector<16xf32>,
    %swap3A_399 = vector.shape_cast %swap3A_398 : vector<16xf32> to vector<16xf32>
    %swap3A_400 = vector.shape_cast %broadcast_in_dim3A_7 : vector<16xf32> to vector<16xf32>
    tpu.vector_store %arg9[%swap3A_397], %swap3A_400 {strides = array<i32>} : memref<1024xf32, #tpu.memory_space<vmem>>, vector<16xf32>,
    %swap3A_401 = arith.constant 784 : index
    %swap3A_402 = tpu.vector_load %arg8[%swap3A_401] {strides = array<i32>} : memref<1024xf32, #tpu.memory_space<vmem>>, vector<16xf32>,
    %swap3A_403 = vector.shape_cast %swap3A_402 : vector<16xf32> to vector<16xf32>
    %swap3A_404 = vector.shape_cast %broadcast_in_dim3A_9 : vector<16xf32> to vector<16xf32>
    tpu.vector_store %arg8[%swap3A_401], %swap3A_404 {strides = array<i32>} : memref<1024xf32, #tpu.memory_space<vmem>>, vector<16xf32>,
    %swap3A_405 = arith.constant 784 : index
    %swap3A_406 = tpu.vector_load %arg9[%swap3A_405] {strides = array<i32>} : memref<1024xf32, #tpu.memory_space<vmem>>, vector<16xf32>,
    %swap3A_407 = vector.shape_cast %swap3A_406 : vector<16xf32> to vector<16xf32>
    %swap3A_408 = vector.shape_cast %broadcast_in_dim3A_7 : vector<16xf32> to vector<16xf32>
    tpu.vector_store %arg9[%swap3A_405], %swap3A_408 {strides = array<i32>} : memref<1024xf32, #tpu.memory_space<vmem>>, vector<16xf32>,
    %swap3A_409 = arith.constant 800 : index
    %swap3A_410 = tpu.vector_load %arg8[%swap3A_409] {strides = array<i32>} : memref<1024xf32, #tpu.memory_space<vmem>>, vector<16xf32>,
    %swap3A_411 = vector.shape_cast %swap3A_410 : vector<16xf32> to vector<16xf32>
    %swap3A_412 = vector.shape_cast %broadcast_in_dim3A_9 : vector<16xf32> to vector<16xf32>
    tpu.vector_store %arg8[%swap3A_409], %swap3A_412 {strides = array<i32>} : memref<1024xf32, #tpu.memory_space<vmem>>, vector<16xf32>,
    %swap3A_413 = arith.constant 800 : index
    %swap3A_414 = tpu.vector_load %arg9[%swap3A_413] {strides = array<i32>} : memref<1024xf32, #tpu.memory_space<vmem>>, vector<16xf32>,
    %swap3A_415 = vector.shape_cast %swap3A_414 : vector<16xf32> to vector<16xf32>
    %swap3A_416 = vector.shape_cast %broadcast_in_dim3A_7 : vector<16xf32> to vector<16xf32>
    tpu.vector_store %arg9[%swap3A_413], %swap3A_416 {strides = array<i32>} : memref<1024xf32, #tpu.memory_space<vmem>>, vector<16xf32>,
    %swap3A_417 = arith.constant 816 : index
    %swap3A_418 = tpu.vector_load %arg8[%swap3A_417] {strides = array<i32>} : memref<1024xf32, #tpu.memory_space<vmem>>, vector<16xf32>,
    %swap3A_419 = vector.shape_cast %swap3A_418 : vector<16xf32> to vector<16xf32>
    %swap3A_420 = vector.shape_cast %broadcast_in_dim3A_9 : vector<16xf32> to vector<16xf32>
    tpu.vector_store %arg8[%swap3A_417], %swap3A_420 {strides = array<i32>} : memref<1024xf32, #tpu.memory_space<vmem>>, vector<16xf32>,
    %swap3A_421 = arith.constant 816 : index
    %swap3A_422 = tpu.vector_load %arg9[%swap3A_421] {strides = array<i32>} : memref<1024xf32, #tpu.memory_space<vmem>>, vector<16xf32>,
    %swap3A_423 = vector.shape_cast %swap3A_422 : vector<16xf32> to vector<16xf32>
    %swap3A_424 = vector.shape_cast %broadcast_in_dim3A_7 : vector<16xf32> to vector<16xf32>
    tpu.vector_store %arg9[%swap3A_421], %swap3A_424 {strides = array<i32>} : memref<1024xf32, #tpu.memory_space<vmem>>, vector<16xf32>,
    %swap3A_425 = arith.constant 832 : index
    %swap3A_426 = tpu.vector_load %arg8[%swap3A_425] {strides = array<i32>} : memref<1024xf32, #tpu.memory_space<vmem>>, vector<16xf32>,
    %swap3A_427 = vector.shape_cast %swap3A_426 : vector<16xf32> to vector<16xf32>
    %swap3A_428 = vector.shape_cast %broadcast_in_dim3A_9 : vector<16xf32> to vector<16xf32>
    tpu.vector_store %arg8[%swap3A_425], %swap3A_428 {strides = array<i32>} : memref<1024xf32, #tpu.memory_space<vmem>>, vector<16xf32>,
    %swap3A_429 = arith.constant 832 : index
    %swap3A_430 = tpu.vector_load %arg9[%swap3A_429] {strides = array<i32>} : memref<1024xf32, #tpu.memory_space<vmem>>, vector<16xf32>,
    %swap3A_431 = vector.shape_cast %swap3A_430 : vector<16xf32> to vector<16xf32>
    %swap3A_432 = vector.shape_cast %broadcast_in_dim3A_7 : vector<16xf32> to vector<16xf32>
    tpu.vector_store %arg9[%swap3A_429], %swap3A_432 {strides = array<i32>} : memref<1024xf32, #tpu.memory_space<vmem>>, vector<16xf32>,
    %swap3A_433 = arith.constant 848 : index
    %swap3A_434 = tpu.vector_load %arg8[%swap3A_433] {strides = array<i32>} : memref<1024xf32, #tpu.memory_space<vmem>>, vector<16xf32>,
    %swap3A_435 = vector.shape_cast %swap3A_434 : vector<16xf32> to vector<16xf32>
    %swap3A_436 = vector.shape_cast %broadcast_in_dim3A_9 : vector<16xf32> to vector<16xf32>
    tpu.vector_store %arg8[%swap3A_433], %swap3A_436 {strides = array<i32>} : memref<1024xf32, #tpu.memory_space<vmem>>, vector<16xf32>,
    %swap3A_437 = arith.constant 848 : index
    %swap3A_438 = tpu.vector_load %arg9[%swap3A_437] {strides = array<i32>} : memref<1024xf32, #tpu.memory_space<vmem>>, vector<16xf32>,
    %swap3A_439 = vector.shape_cast %swap3A_438 : vector<16xf32> to vector<16xf32>
    %swap3A_440 = vector.shape_cast %broadcast_in_dim3A_7 : vector<16xf32> to vector<16xf32>
    tpu.vector_store %arg9[%swap3A_437], %swap3A_440 {strides = array<i32>} : memref<1024xf32, #tpu.memory_space<vmem>>, vector<16xf32>,
    %swap3A_441 = arith.constant 864 : index
    %swap3A_442 = tpu.vector_load %arg8[%swap3A_441] {strides = array<i32>} : memref<1024xf32, #tpu.memory_space<vmem>>, vector<16xf32>,
    %swap3A_443 = vector.shape_cast %swap3A_442 : vector<16xf32> to vector<16xf32>
    %swap3A_444 = vector.shape_cast %broadcast_in_dim3A_9 : vector<16xf32> to vector<16xf32>
    tpu.vector_store %arg8[%swap3A_441], %swap3A_444 {strides = array<i32>} : memref<1024xf32, #tpu.memory_space<vmem>>, vector<16xf32>,
    %swap3A_445 = arith.constant 864 : index
    %swap3A_446 = tpu.vector_load %arg9[%swap3A_445] {strides = array<i32>} : memref<1024xf32, #tpu.memory_space<vmem>>, vector<16xf32>,
    %swap3A_447 = vector.shape_cast %swap3A_446 : vector<16xf32> to vector<16xf32>
    %swap3A_448 = vector.shape_cast %broadcast_in_dim3A_7 : vector<16xf32> to vector<16xf32>
    tpu.vector_store %arg9[%swap3A_445], %swap3A_448 {strides = array<i32>} : memref<1024xf32, #tpu.memory_space<vmem>>, vector<16xf32>,
    %swap3A_449 = arith.constant 880 : index
    %swap3A_450 = tpu.vector_load %arg8[%swap3A_449] {strides = array<i32>} : memref<1024xf32, #tpu.memory_space<vmem>>, vector<16xf32>,
    %swap3A_451 = vector.shape_cast %swap3A_450 : vector<16xf32> to vector<16xf32>
    %swap3A_452 = vector.shape_cast %broadcast_in_dim3A_9 : vector<16xf32> to vector<16xf32>
    tpu.vector_store %arg8[%swap3A_449], %swap3A_452 {strides = array<i32>} : memref<1024xf32, #tpu.memory_space<vmem>>, vector<16xf32>,
    %swap3A_453 = arith.constant 880 : index
    %swap3A_454 = tpu.vector_load %arg9[%swap3A_453] {strides = array<i32>} : memref<1024xf32, #tpu.memory_space<vmem>>, vector<16xf32>,
    %swap3A_455 = vector.shape_cast %swap3A_454 : vector<16xf32> to vector<16xf32>
    %swap3A_456 = vector.shape_cast %broadcast_in_dim3A_7 : vector<16xf32> to vector<16xf32>
    tpu.vector_store %arg9[%swap3A_453], %swap3A_456 {strides = array<i32>} : memref<1024xf32, #tpu.memory_space<vmem>>, vector<16xf32>,
    %swap3A_457 = arith.constant 896 : index
    %swap3A_458 = tpu.vector_load %arg8[%swap3A_457] {strides = array<i32>} : memref<1024xf32, #tpu.memory_space<vmem>>, vector<16xf32>,
    %swap3A_459 = vector.shape_cast %swap3A_458 : vector<16xf32> to vector<16xf32>
    %swap3A_460 = vector.shape_cast %broadcast_in_dim3A_9 : vector<16xf32> to vector<16xf32>
    tpu.vector_store %arg8[%swap3A_457], %swap3A_460 {strides = array<i32>} : memref<1024xf32, #tpu.memory_space<vmem>>, vector<16xf32>,
    %swap3A_461 = arith.constant 896 : index
    %swap3A_462 = tpu.vector_load %arg9[%swap3A_461] {strides = array<i32>} : memref<1024xf32, #tpu.memory_space<vmem>>, vector<16xf32>,
    %swap3A_463 = vector.shape_cast %swap3A_462 : vector<16xf32> to vector<16xf32>
    %swap3A_464 = vector.shape_cast %broadcast_in_dim3A_7 : vector<16xf32> to vector<16xf32>
    tpu.vector_store %arg9[%swap3A_461], %swap3A_464 {strides = array<i32>} : memref<1024xf32, #tpu.memory_space<vmem>>, vector<16xf32>,
    %swap3A_465 = arith.constant 912 : index
    %swap3A_466 = tpu.vector_load %arg8[%swap3A_465] {strides = array<i32>} : memref<1024xf32, #tpu.memory_space<vmem>>, vector<16xf32>,
    %swap3A_467 = vector.shape_cast %swap3A_466 : vector<16xf32> to vector<16xf32>
    %swap3A_468 = vector.shape_cast %broadcast_in_dim3A_9 : vector<16xf32> to vector<16xf32>
    tpu.vector_store %arg8[%swap3A_465], %swap3A_468 {strides = array<i32>} : memref<1024xf32, #tpu.memory_space<vmem>>, vector<16xf32>,
    %swap3A_469 = arith.constant 912 : index
    %swap3A_470 = tpu.vector_load %arg9[%swap3A_469] {strides = array<i32>} : memref<1024xf32, #tpu.memory_space<vmem>>, vector<16xf32>,
    %swap3A_471 = vector.shape_cast %swap3A_470 : vector<16xf32> to vector<16xf32>
    %swap3A_472 = vector.shape_cast %broadcast_in_dim3A_7 : vector<16xf32> to vector<16xf32>
    tpu.vector_store %arg9[%swap3A_469], %swap3A_472 {strides = array<i32>} : memref<1024xf32, #tpu.memory_space<vmem>>, vector<16xf32>,
    %swap3A_473 = arith.constant 928 : index
    %swap3A_474 = tpu.vector_load %arg8[%swap3A_473] {strides = array<i32>} : memref<1024xf32, #tpu.memory_space<vmem>>, vector<16xf32>,
    %swap3A_475 = vector.shape_cast %swap3A_474 : vector<16xf32> to vector<16xf32>
    %swap3A_476 = vector.shape_cast %broadcast_in_dim3A_9 : vector<16xf32> to vector<16xf32>
    tpu.vector_store %arg8[%swap3A_473], %swap3A_476 {strides = array<i32>} : memref<1024xf32, #tpu.memory_space<vmem>>, vector<16xf32>,
    %swap3A_477 = arith.constant 928 : index
    %swap3A_478 = tpu.vector_load %arg9[%swap3A_477] {strides = array<i32>} : memref<1024xf32, #tpu.memory_space<vmem>>, vector<16xf32>,
    %swap3A_479 = vector.shape_cast %swap3A_478 : vector<16xf32> to vector<16xf32>
    %swap3A_480 = vector.shape_cast %broadcast_in_dim3A_7 : vector<16xf32> to vector<16xf32>
    tpu.vector_store %arg9[%swap3A_477], %swap3A_480 {strides = array<i32>} : memref<1024xf32, #tpu.memory_space<vmem>>, vector<16xf32>,
    %swap3A_481 = arith.constant 944 : index
    %swap3A_482 = tpu.vector_load %arg8[%swap3A_481] {strides = array<i32>} : memref<1024xf32, #tpu.memory_space<vmem>>, vector<16xf32>,
    %swap3A_483 = vector.shape_cast %swap3A_482 : vector<16xf32> to vector<16xf32>
    %swap3A_484 = vector.shape_cast %broadcast_in_dim3A_9 : vector<16xf32> to vector<16xf32>
    tpu.vector_store %arg8[%swap3A_481], %swap3A_484 {strides = array<i32>} : memref<1024xf32, #tpu.memory_space<vmem>>, vector<16xf32>,
    %swap3A_485 = arith.constant 944 : index
    %swap3A_486 = tpu.vector_load %arg9[%swap3A_485] {strides = array<i32>} : memref<1024xf32, #tpu.memory_space<vmem>>, vector<16xf32>,
    %swap3A_487 = vector.shape_cast %swap3A_486 : vector<16xf32> to vector<16xf32>
    %swap3A_488 = vector.shape_cast %broadcast_in_dim3A_7 : vector<16xf32> to vector<16xf32>
    tpu.vector_store %arg9[%swap3A_485], %swap3A_488 {strides = array<i32>} : memref<1024xf32, #tpu.memory_space<vmem>>, vector<16xf32>,
    %swap3A_489 = arith.constant 960 : index
    %swap3A_490 = tpu.vector_load %arg8[%swap3A_489] {strides = array<i32>} : memref<1024xf32, #tpu.memory_space<vmem>>, vector<16xf32>,
    %swap3A_491 = vector.shape_cast %swap3A_490 : vector<16xf32> to vector<16xf32>
    %swap3A_492 = vector.shape_cast %broadcast_in_dim3A_9 : vector<16xf32> to vector<16xf32>
    tpu.vector_store %arg8[%swap3A_489], %swap3A_492 {strides = array<i32>} : memref<1024xf32, #tpu.memory_space<vmem>>, vector<16xf32>,
    %swap3A_493 = arith.constant 960 : index
    %swap3A_494 = tpu.vector_load %arg9[%swap3A_493] {strides = array<i32>} : memref<1024xf32, #tpu.memory_space<vmem>>, vector<16xf32>,
    %swap3A_495 = vector.shape_cast %swap3A_494 : vector<16xf32> to vector<16xf32>
    %swap3A_496 = vector.shape_cast %broadcast_in_dim3A_7 : vector<16xf32> to vector<16xf32>
    tpu.vector_store %arg9[%swap3A_493], %swap3A_496 {strides = array<i32>} : memref<1024xf32, #tpu.memory_space<vmem>>, vector<16xf32>,
    %swap3A_497 = arith.constant 976 : index
    %swap3A_498 = tpu.vector_load %arg8[%swap3A_497] {strides = array<i32>} : memref<1024xf32, #tpu.memory_space<vmem>>, vector<16xf32>,
    %swap3A_499 = vector.shape_cast %swap3A_498 : vector<16xf32> to vector<16xf32>
    %swap3A_500 = vector.shape_cast %broadcast_in_dim3A_9 : vector<16xf32> to vector<16xf32>
    tpu.vector_store %arg8[%swap3A_497], %swap3A_500 {strides = array<i32>} : memref<1024xf32, #tpu.memory_space<vmem>>, vector<16xf32>,
    %swap3A_501 = arith.constant 976 : index
    %swap3A_502 = tpu.vector_load %arg9[%swap3A_501] {strides = array<i32>} : memref<1024xf32, #tpu.memory_space<vmem>>, vector<16xf32>,
    %swap3A_503 = vector.shape_cast %swap3A_502 : vector<16xf32> to vector<16xf32>
    %swap3A_504 = vector.shape_cast %broadcast_in_dim3A_7 : vector<16xf32> to vector<16xf32>
    tpu.vector_store %arg9[%swap3A_501], %swap3A_504 {strides = array<i32>} : memref<1024xf32, #tpu.memory_space<vmem>>, vector<16xf32>,
    %swap3A_505 = arith.constant 992 : index
    %swap3A_506 = tpu.vector_load %arg8[%swap3A_505] {strides = array<i32>} : memref<1024xf32, #tpu.memory_space<vmem>>, vector<16xf32>,
    %swap3A_507 = vector.shape_cast %swap3A_506 : vector<16xf32> to vector<16xf32>
    %swap3A_508 = vector.shape_cast %broadcast_in_dim3A_9 : vector<16xf32> to vector<16xf32>
    tpu.vector_store %arg8[%swap3A_505], %swap3A_508 {strides = array<i32>} : memref<1024xf32, #tpu.memory_space<vmem>>, vector<16xf32>,
    %swap3A_509 = arith.constant 992 : index
    %swap3A_510 = tpu.vector_load %arg9[%swap3A_509] {strides = array<i32>} : memref<1024xf32, #tpu.memory_space<vmem>>, vector<16xf32>,
    %swap3A_511 = vector.shape_cast %swap3A_510 : vector<16xf32> to vector<16xf32>
    %swap3A_512 = vector.shape_cast %broadcast_in_dim3A_7 : vector<16xf32> to vector<16xf32>
    tpu.vector_store %arg9[%swap3A_509], %swap3A_512 {strides = array<i32>} : memref<1024xf32, #tpu.memory_space<vmem>>, vector<16xf32>,
    %swap3A_513 = arith.constant 1008 : index
    %swap3A_514 = tpu.vector_load %arg8[%swap3A_513] {strides = array<i32>} : memref<1024xf32, #tpu.memory_space<vmem>>, vector<16xf32>,
    %swap3A_515 = vector.shape_cast %swap3A_514 : vector<16xf32> to vector<16xf32>
    %swap3A_516 = vector.shape_cast %broadcast_in_dim3A_9 : vector<16xf32> to vector<16xf32>
    tpu.vector_store %arg8[%swap3A_513], %swap3A_516 {strides = array<i32>} : memref<1024xf32, #tpu.memory_space<vmem>>, vector<16xf32>,
    %swap3A_517 = arith.constant 1008 : index
    %swap3A_518 = tpu.vector_load %arg9[%swap3A_517] {strides = array<i32>} : memref<1024xf32, #tpu.memory_space<vmem>>, vector<16xf32>,
    %swap3A_519 = vector.shape_cast %swap3A_518 : vector<16xf32> to vector<16xf32>
    %swap3A_520 = vector.shape_cast %broadcast_in_dim3A_7 : vector<16xf32> to vector<16xf32>
    tpu.vector_store %arg9[%swap3A_517], %swap3A_520 {strides = array<i32>} : memref<1024xf32, #tpu.memory_space<vmem>>, vector<16xf32>,
    %mul3A_521 = arith.constant 16 : i32
    %mul3A_522 = arith.muli %select_n3A_6, %mul3A_521 : i32
    %get3A = arith.index_cast %mul3A_522 : i32 to index
    %get3A_523 = tpu.vector_load %arg7[%get3A] {strides = array<i32>} : memref<1568xi32, #tpu.memory_space<vmem>>, vector<16xi32>,
    %get3A_524 = vector.shape_cast %get3A_523 : vector<16xi32> to vector<16xi32>
    %slice3A = vector.extract_strided_slice %get3A_524 {offsets = [0], sizes = [1], strides = [1]} : vector<16xi32> to vector<1xi32>
    %squeeze3A = vector.extract %slice3A[0] : i32 from vector<1xi32>
    %get3A_525 = arith.constant 1552 : index
    %get3A_526 = tpu.vector_load %arg7[%get3A_525] {strides = array<i32>} : memref<1568xi32, #tpu.memory_space<vmem>>, vector<16xi32>,
    %get3A_527 = vector.shape_cast %get3A_526 : vector<16xi32> to vector<16xi32>
    %slice3A_528 = vector.extract_strided_slice %get3A_527 {offsets = [15], sizes = [1], strides = [1]} : vector<16xi32> to vector<1xi32>
    %squeeze3A_529 = vector.extract %slice3A_528[0] : i32 from vector<1xi32>
    %iota3A = tpu.iota {dimensions = array<i32: 0>} : vector<16xi32>
    %add3A_530 = arith.constant 8 : i32
    %add3A_531 = vector.broadcast %add3A_530 : i32 to vector<16xi32>
    %add3A_532 = arith.addi %iota3A, %add3A_531 : vector<16xi32>
    %jit3A_533 = arith.constant 16 : i32
    %eq3A_534 = arith.constant 0 : i32
    %eq3A_535 = arith.cmpi eq, %jit3A_533, %eq3A_534 : i32
    %jit3A_536 = arith.constant 1 : i32
    %select_n3A_537 = arith.select %eq3A_535, %jit3A_536, %jit3A_533 : i32
    %rem3A = vector.broadcast %select_n3A_537 : i32 to vector<16xi32>
    %rem3A_538 = arith.remsi %add3A_532, %rem3A : vector<16xi32>
    %ne3A = arith.constant 0 : i32
    %ne3A_539 = vector.broadcast %ne3A : i32 to vector<16xi32>
    %ne3A_540 = arith.cmpi ne, %rem3A_538, %ne3A_539 : vector<16xi32>
    %lt3A = arith.constant 0 : i32
    %lt3A_541 = vector.broadcast %lt3A : i32 to vector<16xi32>
    %lt3A_542 = arith.cmpi slt, %rem3A_538, %lt3A_541 : vector<16xi32>
    %lt3A_543 = arith.constant 0 : i32
    %lt3A_544 = arith.cmpi slt, %select_n3A_537, %lt3A_543 : i32
    %ne3A_545 = vector.broadcast %lt3A_544 : i1 to vector<16xi1>
    %ne3A_546 = vector.broadcast %ne3A_545 : vector<16xi1> to vector<16xi1>
    %ne3A_547 = arith.xori %lt3A_542, %ne3A_546 : vector<16xi1>
    %and3A = arith.andi %ne3A_547, %ne3A_540 : vector<16xi1>
    %add3A_548 = vector.broadcast %select_n3A_537 : i32 to vector<16xi32>
    %add3A_549 = arith.addi %rem3A_538, %add3A_548 : vector<16xi32>
    %select_n3A_550 = arith.select %and3A, %add3A_549, %rem3A_538 : vector<16xi1>, vector<16xi32>
    %add3A_551 = arith.constant 4 : i32
    %add3A_552 = vector.broadcast %add3A_551 : i32 to vector<16xi32>
    %add3A_553 = arith.addi %iota3A, %add3A_552 : vector<16xi32>
    %jit3A_554 = arith.constant 16 : i32
    %eq3A_555 = arith.constant 0 : i32
    %eq3A_556 = arith.cmpi eq, %jit3A_554, %eq3A_555 : i32
    %jit3A_557 = arith.constant 1 : i32
    %select_n3A_558 = arith.select %eq3A_556, %jit3A_557, %jit3A_554 : i32
    %rem3A_559 = vector.broadcast %select_n3A_558 : i32 to vector<16xi32>
    %rem3A_560 = arith.remsi %add3A_553, %rem3A_559 : vector<16xi32>
    %ne3A_561 = arith.constant 0 : i32
    %ne3A_562 = vector.broadcast %ne3A_561 : i32 to vector<16xi32>
    %ne3A_563 = arith.cmpi ne, %rem3A_560, %ne3A_562 : vector<16xi32>
    %lt3A_564 = arith.constant 0 : i32
    %lt3A_565 = vector.broadcast %lt3A_564 : i32 to vector<16xi32>
    %lt3A_566 = arith.cmpi slt, %rem3A_560, %lt3A_565 : vector<16xi32>
    %lt3A_567 = arith.constant 0 : i32
    %lt3A_568 = arith.cmpi slt, %select_n3A_558, %lt3A_567 : i32
    %ne3A_569 = vector.broadcast %lt3A_568 : i1 to vector<16xi1>
    %ne3A_570 = vector.broadcast %ne3A_569 : vector<16xi1> to vector<16xi1>
    %ne3A_571 = arith.xori %lt3A_566, %ne3A_570 : vector<16xi1>
    %and3A_572 = arith.andi %ne3A_571, %ne3A_563 : vector<16xi1>
    %add3A_573 = vector.broadcast %select_n3A_558 : i32 to vector<16xi32>
    %add3A_574 = arith.addi %rem3A_560, %add3A_573 : vector<16xi32>
    %select_n3A_575 = arith.select %and3A_572, %add3A_574, %rem3A_560 : vector<16xi1>, vector<16xi32>
    %add3A_576 = arith.constant 2 : i32
    %add3A_577 = vector.broadcast %add3A_576 : i32 to vector<16xi32>
    %add3A_578 = arith.addi %iota3A, %add3A_577 : vector<16xi32>
    %jit3A_579 = arith.constant 16 : i32
    %eq3A_580 = arith.constant 0 : i32
    %eq3A_581 = arith.cmpi eq, %jit3A_579, %eq3A_580 : i32
    %jit3A_582 = arith.constant 1 : i32
    %select_n3A_583 = arith.select %eq3A_581, %jit3A_582, %jit3A_579 : i32
    %rem3A_584 = vector.broadcast %select_n3A_583 : i32 to vector<16xi32>
    %rem3A_585 = arith.remsi %add3A_578, %rem3A_584 : vector<16xi32>
    %ne3A_586 = arith.constant 0 : i32
    %ne3A_587 = vector.broadcast %ne3A_586 : i32 to vector<16xi32>
    %ne3A_588 = arith.cmpi ne, %rem3A_585, %ne3A_587 : vector<16xi32>
    %lt3A_589 = arith.constant 0 : i32
    %lt3A_590 = vector.broadcast %lt3A_589 : i32 to vector<16xi32>
    %lt3A_591 = arith.cmpi slt, %rem3A_585, %lt3A_590 : vector<16xi32>
    %lt3A_592 = arith.constant 0 : i32
    %lt3A_593 = arith.cmpi slt, %select_n3A_583, %lt3A_592 : i32
    %ne3A_594 = vector.broadcast %lt3A_593 : i1 to vector<16xi1>
    %ne3A_595 = vector.broadcast %ne3A_594 : vector<16xi1> to vector<16xi1>
    %ne3A_596 = arith.xori %lt3A_591, %ne3A_595 : vector<16xi1>
    %and3A_597 = arith.andi %ne3A_596, %ne3A_588 : vector<16xi1>
    %add3A_598 = vector.broadcast %select_n3A_583 : i32 to vector<16xi32>
    %add3A_599 = arith.addi %rem3A_585, %add3A_598 : vector<16xi32>
    %select_n3A_600 = arith.select %and3A_597, %add3A_599, %rem3A_585 : vector<16xi1>, vector<16xi32>
    %add3A_601 = arith.constant 1 : i32
    %add3A_602 = vector.broadcast %add3A_601 : i32 to vector<16xi32>
    %add3A_603 = arith.addi %iota3A, %add3A_602 : vector<16xi32>
    %jit3A_604 = arith.constant 16 : i32
    %eq3A_605 = arith.constant 0 : i32
    %eq3A_606 = arith.cmpi eq, %jit3A_604, %eq3A_605 : i32
    %jit3A_607 = arith.constant 1 : i32
    %select_n3A_608 = arith.select %eq3A_606, %jit3A_607, %jit3A_604 : i32
    %rem3A_609 = vector.broadcast %select_n3A_608 : i32 to vector<16xi32>
    %rem3A_610 = arith.remsi %add3A_603, %rem3A_609 : vector<16xi32>
    %ne3A_611 = arith.constant 0 : i32
    %ne3A_612 = vector.broadcast %ne3A_611 : i32 to vector<16xi32>
    %ne3A_613 = arith.cmpi ne, %rem3A_610, %ne3A_612 : vector<16xi32>
    %lt3A_614 = arith.constant 0 : i32
    %lt3A_615 = vector.broadcast %lt3A_614 : i32 to vector<16xi32>
    %lt3A_616 = arith.cmpi slt, %rem3A_610, %lt3A_615 : vector<16xi32>
    %lt3A_617 = arith.constant 0 : i32
    %lt3A_618 = arith.cmpi slt, %select_n3A_608, %lt3A_617 : i32
    %ne3A_619 = vector.broadcast %lt3A_618 : i1 to vector<16xi1>
    %ne3A_620 = vector.broadcast %ne3A_619 : vector<16xi1> to vector<16xi1>
    %ne3A_621 = arith.xori %lt3A_616, %ne3A_620 : vector<16xi1>
    %and3A_622 = arith.andi %ne3A_621, %ne3A_613 : vector<16xi1>
    %add3A_623 = vector.broadcast %select_n3A_608 : i32 to vector<16xi32>
    %add3A_624 = arith.addi %rem3A_610, %add3A_623 : vector<16xi32>
    %select_n3A_625 = arith.select %and3A_622, %add3A_624, %rem3A_610 : vector<16xi1>, vector<16xi32>
    %add3A_626 = arith.constant 1 : i32
    %add3A_627 = arith.addi %squeeze3A_529, %add3A_626 : i32
    %while3A = arith.constant 0 : i32
    %while3A_628 = arith.subi %add3A_627, %squeeze3A : i32
    %while3A_629 = arith.addi %squeeze3A, %while3A_628 : i32
    %while3A_630 = arith.constant 1 : i32
    %while3A_631 = arith.divsi %while3A_628, %while3A_630 : i32
    %while3A_632 = arith.muli %while3A_631, %while3A_630 : i32
    %while3A_633 = arith.addi %squeeze3A, %while3A_632 : i32
    %while3A_634 = arith.constant 1 : i32
    %while3A_635 = scf.for %while3A_638 = %squeeze3A to %while3A_633 step %while3A_634 iter_args(%while3A_639 = %while3A) -> (i32)  : i32 {
      %while3A_640 = arith.constant 98 : i32
      %while3A_641 = arith.subi %while3A_640, %select_n3A_6 : i32
      %while3A_642 = arith.addi %select_n3A_6, %while3A_641 : i32
      %while3A_643 = arith.constant 1 : i32
      %while3A_644 = arith.divsi %while3A_641, %while3A_643 : i32
      %while3A_645 = arith.muli %while3A_644, %while3A_643 : i32
      %while3A_646 = arith.addi %select_n3A_6, %while3A_645 : i32
      %while3A_647 = arith.constant 1 : i32
      %while3A_648 = scf.for %while3A_761 = %select_n3A_6 to %while3A_646 step %while3A_647 iter_args(%while3A_762 = %broadcast_in_dim3A_9) -> (vector<16xf32>)  : i32 {
        %mul3A_763 = arith.constant 16 : i32
        %mul3A_764 = arith.muli %while3A_761, %mul3A_763 : i32
        %get3A_765 = arith.index_cast %mul3A_764 : i32 to index
        %get3A_766 = tpu.vector_load %arg7[%get3A_765] {strides = array<i32>} : memref<1568xi32, #tpu.memory_space<vmem>>, vector<16xi32>,
        %get3A_767 = vector.shape_cast %get3A_766 : vector<16xi32> to vector<16xi32>
        %mul3A_768 = arith.constant 16 : i32
        %mul3A_769 = arith.muli %while3A_761, %mul3A_768 : i32
        %get3A_770 = arith.index_cast %mul3A_769 : i32 to index
        %get3A_771 = tpu.vector_load %arg6[%get3A_770] {strides = array<i32>} : memref<1568xf32, #tpu.memory_space<vmem>>, vector<16xf32>,
        %get3A_772 = vector.shape_cast %get3A_771 : vector<16xf32> to vector<16xf32>
        %eq3A_773 = vector.broadcast %while3A_638 : i32 to vector<16xi32>
        %eq3A_774 = arith.cmpi eq, %get3A_767, %eq3A_773 : vector<16xi32>
        %jit3A_775 = arith.constant -1.000000e+30 : f32
        %broadcast_in_dim3A_776 = vector.broadcast %jit3A_775 : f32 to vector<16xf32>
        %select_n3A_777 = arith.select %eq3A_774, %get3A_772, %broadcast_in_dim3A_776 : vector<16xi1>, vector<16xf32>
        %max3A_778 = arith.maximumf %while3A_762, %select_n3A_777 : vector<16xf32>
        scf.yield %max3A_778 : vector<16xf32>
      }
      %while3A_649 = arith.constant 1 : i32
      %while3A_650 = scf.for %while3A_761 = %while3A_646 to %while3A_642 step %while3A_649 iter_args(%while3A_762 = %while3A_648) -> (vector<16xf32>)  : i32 {
        %mul3A_763 = arith.constant 16 : i32
        %mul3A_764 = arith.muli %while3A_761, %mul3A_763 : i32
        %get3A_765 = arith.index_cast %mul3A_764 : i32 to index
        %get3A_766 = tpu.vector_load %arg7[%get3A_765] {strides = array<i32>} : memref<1568xi32, #tpu.memory_space<vmem>>, vector<16xi32>,
        %get3A_767 = vector.shape_cast %get3A_766 : vector<16xi32> to vector<16xi32>
        %mul3A_768 = arith.constant 16 : i32
        %mul3A_769 = arith.muli %while3A_761, %mul3A_768 : i32
        %get3A_770 = arith.index_cast %mul3A_769 : i32 to index
        %get3A_771 = tpu.vector_load %arg6[%get3A_770] {strides = array<i32>} : memref<1568xf32, #tpu.memory_space<vmem>>, vector<16xf32>,
        %get3A_772 = vector.shape_cast %get3A_771 : vector<16xf32> to vector<16xf32>
        %eq3A_773 = vector.broadcast %while3A_638 : i32 to vector<16xi32>
        %eq3A_774 = arith.cmpi eq, %get3A_767, %eq3A_773 : vector<16xi32>
        %jit3A_775 = arith.constant -1.000000e+30 : f32
        %broadcast_in_dim3A_776 = vector.broadcast %jit3A_775 : f32 to vector<16xf32>
        %select_n3A_777 = arith.select %eq3A_774, %get3A_772, %broadcast_in_dim3A_776 : vector<16xi1>, vector<16xf32>
        %max3A_778 = arith.maximumf %while3A_762, %select_n3A_777 : vector<16xf32>
        scf.yield %max3A_778 : vector<16xf32>
      }
      %lt3A_651 = arith.constant 0 : i32
      %lt3A_652 = vector.broadcast %lt3A_651 : i32 to vector<16xi32>
      %lt3A_653 = arith.cmpi slt, %select_n3A_550, %lt3A_652 : vector<16xi32>
      %add3A_654 = arith.constant 16 : i32
      %add3A_655 = vector.broadcast %add3A_654 : i32 to vector<16xi32>
      %add3A_656 = arith.addi %select_n3A_550, %add3A_655 : vector<16xi32>
      %select_n3A_657 = arith.select %lt3A_653, %add3A_656, %select_n3A_550 : vector<16xi1>, vector<16xi32>
      %broadcast_in_dim3A_658 = vector.shape_cast %select_n3A_657 : vector<16xi32> to vector<16x1xi32>
      %gather3A = vector.shape_cast %broadcast_in_dim3A_658 : vector<16x1xi32> to vector<16xi32>
      %gather3A_659 = tpu.dynamic_gather %while3A_650[%gather3A] in [0] : vector<16xf32>, vector<16xi32> -> vector<16xf32>
      %max3A = arith.maximumf %while3A_650, %gather3A_659 : vector<16xf32>
      %lt3A_660 = arith.constant 0 : i32
      %lt3A_661 = vector.broadcast %lt3A_660 : i32 to vector<16xi32>
      %lt3A_662 = arith.cmpi slt, %select_n3A_575, %lt3A_661 : vector<16xi32>
      %add3A_663 = arith.constant 16 : i32
      %add3A_664 = vector.broadcast %add3A_663 : i32 to vector<16xi32>
      %add3A_665 = arith.addi %select_n3A_575, %add3A_664 : vector<16xi32>
      %select_n3A_666 = arith.select %lt3A_662, %add3A_665, %select_n3A_575 : vector<16xi1>, vector<16xi32>
      %broadcast_in_dim3A_667 = vector.shape_cast %select_n3A_666 : vector<16xi32> to vector<16x1xi32>
      %gather3A_668 = vector.shape_cast %broadcast_in_dim3A_667 : vector<16x1xi32> to vector<16xi32>
      %gather3A_669 = tpu.dynamic_gather %max3A[%gather3A_668] in [0] : vector<16xf32>, vector<16xi32> -> vector<16xf32>
      %max3A_670 = arith.maximumf %max3A, %gather3A_669 : vector<16xf32>
      %lt3A_671 = arith.constant 0 : i32
      %lt3A_672 = vector.broadcast %lt3A_671 : i32 to vector<16xi32>
      %lt3A_673 = arith.cmpi slt, %select_n3A_600, %lt3A_672 : vector<16xi32>
      %add3A_674 = arith.constant 16 : i32
      %add3A_675 = vector.broadcast %add3A_674 : i32 to vector<16xi32>
      %add3A_676 = arith.addi %select_n3A_600, %add3A_675 : vector<16xi32>
      %select_n3A_677 = arith.select %lt3A_673, %add3A_676, %select_n3A_600 : vector<16xi1>, vector<16xi32>
      %broadcast_in_dim3A_678 = vector.shape_cast %select_n3A_677 : vector<16xi32> to vector<16x1xi32>
      %gather3A_679 = vector.shape_cast %broadcast_in_dim3A_678 : vector<16x1xi32> to vector<16xi32>
      %gather3A_680 = tpu.dynamic_gather %max3A_670[%gather3A_679] in [0] : vector<16xf32>, vector<16xi32> -> vector<16xf32>
      %max3A_681 = arith.maximumf %max3A_670, %gather3A_680 : vector<16xf32>
      %lt3A_682 = arith.constant 0 : i32
      %lt3A_683 = vector.broadcast %lt3A_682 : i32 to vector<16xi32>
      %lt3A_684 = arith.cmpi slt, %select_n3A_625, %lt3A_683 : vector<16xi32>
      %add3A_685 = arith.constant 16 : i32
      %add3A_686 = vector.broadcast %add3A_685 : i32 to vector<16xi32>
      %add3A_687 = arith.addi %select_n3A_625, %add3A_686 : vector<16xi32>
      %select_n3A_688 = arith.select %lt3A_684, %add3A_687, %select_n3A_625 : vector<16xi1>, vector<16xi32>
      %broadcast_in_dim3A_689 = vector.shape_cast %select_n3A_688 : vector<16xi32> to vector<16x1xi32>
      %gather3A_690 = vector.shape_cast %broadcast_in_dim3A_689 : vector<16x1xi32> to vector<16xi32>
      %gather3A_691 = tpu.dynamic_gather %max3A_681[%gather3A_690] in [0] : vector<16xf32>, vector<16xi32> -> vector<16xf32>
      %max3A_692 = arith.maximumf %max3A_681, %gather3A_691 : vector<16xf32>
      %while3A_693 = arith.constant 98 : i32
      %while3A_694 = arith.subi %while3A_693, %select_n3A_6 : i32
      %while3A_695 = arith.addi %select_n3A_6, %while3A_694 : i32
      %while3A_696 = arith.constant 1 : i32
      %while3A_697 = arith.divsi %while3A_694, %while3A_696 : i32
      %while3A_698 = arith.muli %while3A_697, %while3A_696 : i32
      %while3A_699 = arith.addi %select_n3A_6, %while3A_698 : i32
      %while3A_700 = arith.constant 1 : i32
      %while3A_701 = scf.for %while3A_761 = %select_n3A_6 to %while3A_699 step %while3A_700 iter_args(%while3A_762 = %broadcast_in_dim3A_7) -> (vector<16xf32>)  : i32 {
        %mul3A_763 = arith.constant 16 : i32
        %mul3A_764 = arith.muli %while3A_761, %mul3A_763 : i32
        %get3A_765 = arith.index_cast %mul3A_764 : i32 to index
        %get3A_766 = tpu.vector_load %arg7[%get3A_765] {strides = array<i32>} : memref<1568xi32, #tpu.memory_space<vmem>>, vector<16xi32>,
        %get3A_767 = vector.shape_cast %get3A_766 : vector<16xi32> to vector<16xi32>
        %mul3A_768 = arith.constant 16 : i32
        %mul3A_769 = arith.muli %while3A_761, %mul3A_768 : i32
        %get3A_770 = arith.index_cast %mul3A_769 : i32 to index
        %get3A_771 = tpu.vector_load %arg6[%get3A_770] {strides = array<i32>} : memref<1568xf32, #tpu.memory_space<vmem>>, vector<16xf32>,
        %get3A_772 = vector.shape_cast %get3A_771 : vector<16xf32> to vector<16xf32>
        %eq3A_773 = vector.broadcast %while3A_638 : i32 to vector<16xi32>
        %eq3A_774 = arith.cmpi eq, %get3A_767, %eq3A_773 : vector<16xi32>
        %sub3A = arith.subf %get3A_772, %max3A_692 : vector<16xf32>
        %exp3A = math.exp %sub3A : vector<16xf32>
        %jit3A_775 = arith.constant 0.000000e+00 : f32
        %broadcast_in_dim3A_776 = vector.broadcast %jit3A_775 : f32 to vector<16xf32>
        %select_n3A_777 = arith.select %eq3A_774, %exp3A, %broadcast_in_dim3A_776 : vector<16xi1>, vector<16xf32>
        %add3A_778 = arith.addf %while3A_762, %select_n3A_777 : vector<16xf32>
        scf.yield %add3A_778 : vector<16xf32>
      }
      %while3A_702 = arith.constant 1 : i32
      %while3A_703 = scf.for %while3A_761 = %while3A_699 to %while3A_695 step %while3A_702 iter_args(%while3A_762 = %while3A_701) -> (vector<16xf32>)  : i32 {
        %mul3A_763 = arith.constant 16 : i32
        %mul3A_764 = arith.muli %while3A_761, %mul3A_763 : i32
        %get3A_765 = arith.index_cast %mul3A_764 : i32 to index
        %get3A_766 = tpu.vector_load %arg7[%get3A_765] {strides = array<i32>} : memref<1568xi32, #tpu.memory_space<vmem>>, vector<16xi32>,
        %get3A_767 = vector.shape_cast %get3A_766 : vector<16xi32> to vector<16xi32>
        %mul3A_768 = arith.constant 16 : i32
        %mul3A_769 = arith.muli %while3A_761, %mul3A_768 : i32
        %get3A_770 = arith.index_cast %mul3A_769 : i32 to index
        %get3A_771 = tpu.vector_load %arg6[%get3A_770] {strides = array<i32>} : memref<1568xf32, #tpu.memory_space<vmem>>, vector<16xf32>,
        %get3A_772 = vector.shape_cast %get3A_771 : vector<16xf32> to vector<16xf32>
        %eq3A_773 = vector.broadcast %while3A_638 : i32 to vector<16xi32>
        %eq3A_774 = arith.cmpi eq, %get3A_767, %eq3A_773 : vector<16xi32>
        %sub3A = arith.subf %get3A_772, %max3A_692 : vector<16xf32>
        %exp3A = math.exp %sub3A : vector<16xf32>
        %jit3A_775 = arith.constant 0.000000e+00 : f32
        %broadcast_in_dim3A_776 = vector.broadcast %jit3A_775 : f32 to vector<16xf32>
        %select_n3A_777 = arith.select %eq3A_774, %exp3A, %broadcast_in_dim3A_776 : vector<16xi1>, vector<16xf32>
        %add3A_778 = arith.addf %while3A_762, %select_n3A_777 : vector<16xf32>
        scf.yield %add3A_778 : vector<16xf32>
      }
      %lt3A_704 = arith.constant 0 : i32
      %lt3A_705 = vector.broadcast %lt3A_704 : i32 to vector<16xi32>
      %lt3A_706 = arith.cmpi slt, %select_n3A_550, %lt3A_705 : vector<16xi32>
      %add3A_707 = arith.constant 16 : i32
      %add3A_708 = vector.broadcast %add3A_707 : i32 to vector<16xi32>
      %add3A_709 = arith.addi %select_n3A_550, %add3A_708 : vector<16xi32>
      %select_n3A_710 = arith.select %lt3A_706, %add3A_709, %select_n3A_550 : vector<16xi1>, vector<16xi32>
      %broadcast_in_dim3A_711 = vector.shape_cast %select_n3A_710 : vector<16xi32> to vector<16x1xi32>
      %gather3A_712 = vector.shape_cast %broadcast_in_dim3A_711 : vector<16x1xi32> to vector<16xi32>
      %gather3A_713 = tpu.dynamic_gather %while3A_703[%gather3A_712] in [0] : vector<16xf32>, vector<16xi32> -> vector<16xf32>
      %add3A_714 = arith.addf %while3A_703, %gather3A_713 : vector<16xf32>
      %lt3A_715 = arith.constant 0 : i32
      %lt3A_716 = vector.broadcast %lt3A_715 : i32 to vector<16xi32>
      %lt3A_717 = arith.cmpi slt, %select_n3A_575, %lt3A_716 : vector<16xi32>
      %add3A_718 = arith.constant 16 : i32
      %add3A_719 = vector.broadcast %add3A_718 : i32 to vector<16xi32>
      %add3A_720 = arith.addi %select_n3A_575, %add3A_719 : vector<16xi32>
      %select_n3A_721 = arith.select %lt3A_717, %add3A_720, %select_n3A_575 : vector<16xi1>, vector<16xi32>
      %broadcast_in_dim3A_722 = vector.shape_cast %select_n3A_721 : vector<16xi32> to vector<16x1xi32>
      %gather3A_723 = vector.shape_cast %broadcast_in_dim3A_722 : vector<16x1xi32> to vector<16xi32>
      %gather3A_724 = tpu.dynamic_gather %add3A_714[%gather3A_723] in [0] : vector<16xf32>, vector<16xi32> -> vector<16xf32>
      %add3A_725 = arith.addf %add3A_714, %gather3A_724 : vector<16xf32>
      %lt3A_726 = arith.constant 0 : i32
      %lt3A_727 = vector.broadcast %lt3A_726 : i32 to vector<16xi32>
      %lt3A_728 = arith.cmpi slt, %select_n3A_600, %lt3A_727 : vector<16xi32>
      %add3A_729 = arith.constant 16 : i32
      %add3A_730 = vector.broadcast %add3A_729 : i32 to vector<16xi32>
      %add3A_731 = arith.addi %select_n3A_600, %add3A_730 : vector<16xi32>
      %select_n3A_732 = arith.select %lt3A_728, %add3A_731, %select_n3A_600 : vector<16xi1>, vector<16xi32>
      %broadcast_in_dim3A_733 = vector.shape_cast %select_n3A_732 : vector<16xi32> to vector<16x1xi32>
      %gather3A_734 = vector.shape_cast %broadcast_in_dim3A_733 : vector<16x1xi32> to vector<16xi32>
      %gather3A_735 = tpu.dynamic_gather %add3A_725[%gather3A_734] in [0] : vector<16xf32>, vector<16xi32> -> vector<16xf32>
      %add3A_736 = arith.addf %add3A_725, %gather3A_735 : vector<16xf32>
      %lt3A_737 = arith.constant 0 : i32
      %lt3A_738 = vector.broadcast %lt3A_737 : i32 to vector<16xi32>
      %lt3A_739 = arith.cmpi slt, %select_n3A_625, %lt3A_738 : vector<16xi32>
      %add3A_740 = arith.constant 16 : i32
      %add3A_741 = vector.broadcast %add3A_740 : i32 to vector<16xi32>
      %add3A_742 = arith.addi %select_n3A_625, %add3A_741 : vector<16xi32>
      %select_n3A_743 = arith.select %lt3A_739, %add3A_742, %select_n3A_625 : vector<16xi1>, vector<16xi32>
      %broadcast_in_dim3A_744 = vector.shape_cast %select_n3A_743 : vector<16xi32> to vector<16x1xi32>
      %gather3A_745 = vector.shape_cast %broadcast_in_dim3A_744 : vector<16x1xi32> to vector<16xi32>
      %gather3A_746 = tpu.dynamic_gather %add3A_736[%gather3A_745] in [0] : vector<16xf32>, vector<16xi32> -> vector<16xf32>
      %add3A_747 = arith.addf %add3A_736, %gather3A_746 : vector<16xf32>
      %mul3A_748 = arith.constant 16 : i32
      %mul3A_749 = arith.muli %while3A_638, %mul3A_748 : i32
      %swap3A_750 = arith.index_cast %mul3A_749 : i32 to index
      %swap3A_751 = tpu.vector_load %arg8[%swap3A_750] {strides = array<i32>} : memref<1024xf32, #tpu.memory_space<vmem>>, vector<16xf32>,
      %swap3A_752 = vector.shape_cast %swap3A_751 : vector<16xf32> to vector<16xf32>
      %swap3A_753 = vector.shape_cast %max3A_692 : vector<16xf32> to vector<16xf32>
      tpu.vector_store %arg8[%swap3A_750], %swap3A_753 {strides = array<i32>} : memref<1024xf32, #tpu.memory_space<vmem>>, vector<16xf32>,
      %mul3A_754 = arith.constant 16 : i32
      %mul3A_755 = arith.muli %while3A_638, %mul3A_754 : i32
      %swap3A_756 = arith.index_cast %mul3A_755 : i32 to index
      %swap3A_757 = tpu.vector_load %arg9[%swap3A_756] {strides = array<i32>} : memref<1024xf32, #tpu.memory_space<vmem>>, vector<16xf32>,
      %swap3A_758 = vector.shape_cast %swap3A_757 : vector<16xf32> to vector<16xf32>
      %swap3A_759 = vector.shape_cast %add3A_747 : vector<16xf32> to vector<16xf32>
      tpu.vector_store %arg9[%swap3A_756], %swap3A_759 {strides = array<i32>} : memref<1024xf32, #tpu.memory_space<vmem>>, vector<16xf32>,
      %while3A_760 = arith.constant 0 : i32
      scf.yield %while3A_760 : i32
    }
    %while3A_636 = arith.constant 1 : i32
    %while3A_637 = scf.for %while3A_638 = %while3A_633 to %while3A_629 step %while3A_636 iter_args(%while3A_639 = %while3A_635) -> (i32)  : i32 {
      %while3A_640 = arith.constant 98 : i32
      %while3A_641 = arith.subi %while3A_640, %select_n3A_6 : i32
      %while3A_642 = arith.addi %select_n3A_6, %while3A_641 : i32
      %while3A_643 = arith.constant 1 : i32
      %while3A_644 = arith.divsi %while3A_641, %while3A_643 : i32
      %while3A_645 = arith.muli %while3A_644, %while3A_643 : i32
      %while3A_646 = arith.addi %select_n3A_6, %while3A_645 : i32
      %while3A_647 = arith.constant 1 : i32
      %while3A_648 = scf.for %while3A_761 = %select_n3A_6 to %while3A_646 step %while3A_647 iter_args(%while3A_762 = %broadcast_in_dim3A_9) -> (vector<16xf32>)  : i32 {
        %mul3A_763 = arith.constant 16 : i32
        %mul3A_764 = arith.muli %while3A_761, %mul3A_763 : i32
        %get3A_765 = arith.index_cast %mul3A_764 : i32 to index
        %get3A_766 = tpu.vector_load %arg7[%get3A_765] {strides = array<i32>} : memref<1568xi32, #tpu.memory_space<vmem>>, vector<16xi32>,
        %get3A_767 = vector.shape_cast %get3A_766 : vector<16xi32> to vector<16xi32>
        %mul3A_768 = arith.constant 16 : i32
        %mul3A_769 = arith.muli %while3A_761, %mul3A_768 : i32
        %get3A_770 = arith.index_cast %mul3A_769 : i32 to index
        %get3A_771 = tpu.vector_load %arg6[%get3A_770] {strides = array<i32>} : memref<1568xf32, #tpu.memory_space<vmem>>, vector<16xf32>,
        %get3A_772 = vector.shape_cast %get3A_771 : vector<16xf32> to vector<16xf32>
        %eq3A_773 = vector.broadcast %while3A_638 : i32 to vector<16xi32>
        %eq3A_774 = arith.cmpi eq, %get3A_767, %eq3A_773 : vector<16xi32>
        %jit3A_775 = arith.constant -1.000000e+30 : f32
        %broadcast_in_dim3A_776 = vector.broadcast %jit3A_775 : f32 to vector<16xf32>
        %select_n3A_777 = arith.select %eq3A_774, %get3A_772, %broadcast_in_dim3A_776 : vector<16xi1>, vector<16xf32>
        %max3A_778 = arith.maximumf %while3A_762, %select_n3A_777 : vector<16xf32>
        scf.yield %max3A_778 : vector<16xf32>
      }
      %while3A_649 = arith.constant 1 : i32
      %while3A_650 = scf.for %while3A_761 = %while3A_646 to %while3A_642 step %while3A_649 iter_args(%while3A_762 = %while3A_648) -> (vector<16xf32>)  : i32 {
        %mul3A_763 = arith.constant 16 : i32
        %mul3A_764 = arith.muli %while3A_761, %mul3A_763 : i32
        %get3A_765 = arith.index_cast %mul3A_764 : i32 to index
        %get3A_766 = tpu.vector_load %arg7[%get3A_765] {strides = array<i32>} : memref<1568xi32, #tpu.memory_space<vmem>>, vector<16xi32>,
        %get3A_767 = vector.shape_cast %get3A_766 : vector<16xi32> to vector<16xi32>
        %mul3A_768 = arith.constant 16 : i32
        %mul3A_769 = arith.muli %while3A_761, %mul3A_768 : i32
        %get3A_770 = arith.index_cast %mul3A_769 : i32 to index
        %get3A_771 = tpu.vector_load %arg6[%get3A_770] {strides = array<i32>} : memref<1568xf32, #tpu.memory_space<vmem>>, vector<16xf32>,
        %get3A_772 = vector.shape_cast %get3A_771 : vector<16xf32> to vector<16xf32>
        %eq3A_773 = vector.broadcast %while3A_638 : i32 to vector<16xi32>
        %eq3A_774 = arith.cmpi eq, %get3A_767, %eq3A_773 : vector<16xi32>
        %jit3A_775 = arith.constant -1.000000e+30 : f32
        %broadcast_in_dim3A_776 = vector.broadcast %jit3A_775 : f32 to vector<16xf32>
        %select_n3A_777 = arith.select %eq3A_774, %get3A_772, %broadcast_in_dim3A_776 : vector<16xi1>, vector<16xf32>
        %max3A_778 = arith.maximumf %while3A_762, %select_n3A_777 : vector<16xf32>
        scf.yield %max3A_778 : vector<16xf32>
      }
      %lt3A_651 = arith.constant 0 : i32
      %lt3A_652 = vector.broadcast %lt3A_651 : i32 to vector<16xi32>
      %lt3A_653 = arith.cmpi slt, %select_n3A_550, %lt3A_652 : vector<16xi32>
      %add3A_654 = arith.constant 16 : i32
      %add3A_655 = vector.broadcast %add3A_654 : i32 to vector<16xi32>
      %add3A_656 = arith.addi %select_n3A_550, %add3A_655 : vector<16xi32>
      %select_n3A_657 = arith.select %lt3A_653, %add3A_656, %select_n3A_550 : vector<16xi1>, vector<16xi32>
      %broadcast_in_dim3A_658 = vector.shape_cast %select_n3A_657 : vector<16xi32> to vector<16x1xi32>
      %gather3A = vector.shape_cast %broadcast_in_dim3A_658 : vector<16x1xi32> to vector<16xi32>
      %gather3A_659 = tpu.dynamic_gather %while3A_650[%gather3A] in [0] : vector<16xf32>, vector<16xi32> -> vector<16xf32>
      %max3A = arith.maximumf %while3A_650, %gather3A_659 : vector<16xf32>
      %lt3A_660 = arith.constant 0 : i32
      %lt3A_661 = vector.broadcast %lt3A_660 : i32 to vector<16xi32>
      %lt3A_662 = arith.cmpi slt, %select_n3A_575, %lt3A_661 : vector<16xi32>
      %add3A_663 = arith.constant 16 : i32
      %add3A_664 = vector.broadcast %add3A_663 : i32 to vector<16xi32>
      %add3A_665 = arith.addi %select_n3A_575, %add3A_664 : vector<16xi32>
      %select_n3A_666 = arith.select %lt3A_662, %add3A_665, %select_n3A_575 : vector<16xi1>, vector<16xi32>
      %broadcast_in_dim3A_667 = vector.shape_cast %select_n3A_666 : vector<16xi32> to vector<16x1xi32>
      %gather3A_668 = vector.shape_cast %broadcast_in_dim3A_667 : vector<16x1xi32> to vector<16xi32>
      %gather3A_669 = tpu.dynamic_gather %max3A[%gather3A_668] in [0] : vector<16xf32>, vector<16xi32> -> vector<16xf32>
      %max3A_670 = arith.maximumf %max3A, %gather3A_669 : vector<16xf32>
      %lt3A_671 = arith.constant 0 : i32
      %lt3A_672 = vector.broadcast %lt3A_671 : i32 to vector<16xi32>
      %lt3A_673 = arith.cmpi slt, %select_n3A_600, %lt3A_672 : vector<16xi32>
      %add3A_674 = arith.constant 16 : i32
      %add3A_675 = vector.broadcast %add3A_674 : i32 to vector<16xi32>
      %add3A_676 = arith.addi %select_n3A_600, %add3A_675 : vector<16xi32>
      %select_n3A_677 = arith.select %lt3A_673, %add3A_676, %select_n3A_600 : vector<16xi1>, vector<16xi32>
      %broadcast_in_dim3A_678 = vector.shape_cast %select_n3A_677 : vector<16xi32> to vector<16x1xi32>
      %gather3A_679 = vector.shape_cast %broadcast_in_dim3A_678 : vector<16x1xi32> to vector<16xi32>
      %gather3A_680 = tpu.dynamic_gather %max3A_670[%gather3A_679] in [0] : vector<16xf32>, vector<16xi32> -> vector<16xf32>
      %max3A_681 = arith.maximumf %max3A_670, %gather3A_680 : vector<16xf32>
      %lt3A_682 = arith.constant 0 : i32
      %lt3A_683 = vector.broadcast %lt3A_682 : i32 to vector<16xi32>
      %lt3A_684 = arith.cmpi slt, %select_n3A_625, %lt3A_683 : vector<16xi32>
      %add3A_685 = arith.constant 16 : i32
      %add3A_686 = vector.broadcast %add3A_685 : i32 to vector<16xi32>
      %add3A_687 = arith.addi %select_n3A_625, %add3A_686 : vector<16xi32>
      %select_n3A_688 = arith.select %lt3A_684, %add3A_687, %select_n3A_625 : vector<16xi1>, vector<16xi32>
      %broadcast_in_dim3A_689 = vector.shape_cast %select_n3A_688 : vector<16xi32> to vector<16x1xi32>
      %gather3A_690 = vector.shape_cast %broadcast_in_dim3A_689 : vector<16x1xi32> to vector<16xi32>
      %gather3A_691 = tpu.dynamic_gather %max3A_681[%gather3A_690] in [0] : vector<16xf32>, vector<16xi32> -> vector<16xf32>
      %max3A_692 = arith.maximumf %max3A_681, %gather3A_691 : vector<16xf32>
      %while3A_693 = arith.constant 98 : i32
      %while3A_694 = arith.subi %while3A_693, %select_n3A_6 : i32
      %while3A_695 = arith.addi %select_n3A_6, %while3A_694 : i32
      %while3A_696 = arith.constant 1 : i32
      %while3A_697 = arith.divsi %while3A_694, %while3A_696 : i32
      %while3A_698 = arith.muli %while3A_697, %while3A_696 : i32
      %while3A_699 = arith.addi %select_n3A_6, %while3A_698 : i32
      %while3A_700 = arith.constant 1 : i32
      %while3A_701 = scf.for %while3A_761 = %select_n3A_6 to %while3A_699 step %while3A_700 iter_args(%while3A_762 = %broadcast_in_dim3A_7) -> (vector<16xf32>)  : i32 {
        %mul3A_763 = arith.constant 16 : i32
        %mul3A_764 = arith.muli %while3A_761, %mul3A_763 : i32
        %get3A_765 = arith.index_cast %mul3A_764 : i32 to index
        %get3A_766 = tpu.vector_load %arg7[%get3A_765] {strides = array<i32>} : memref<1568xi32, #tpu.memory_space<vmem>>, vector<16xi32>,
        %get3A_767 = vector.shape_cast %get3A_766 : vector<16xi32> to vector<16xi32>
        %mul3A_768 = arith.constant 16 : i32
        %mul3A_769 = arith.muli %while3A_761, %mul3A_768 : i32
        %get3A_770 = arith.index_cast %mul3A_769 : i32 to index
        %get3A_771 = tpu.vector_load %arg6[%get3A_770] {strides = array<i32>} : memref<1568xf32, #tpu.memory_space<vmem>>, vector<16xf32>,
        %get3A_772 = vector.shape_cast %get3A_771 : vector<16xf32> to vector<16xf32>
        %eq3A_773 = vector.broadcast %while3A_638 : i32 to vector<16xi32>
        %eq3A_774 = arith.cmpi eq, %get3A_767, %eq3A_773 : vector<16xi32>
        %sub3A = arith.subf %get3A_772, %max3A_692 : vector<16xf32>
        %exp3A = math.exp %sub3A : vector<16xf32>
        %jit3A_775 = arith.constant 0.000000e+00 : f32
        %broadcast_in_dim3A_776 = vector.broadcast %jit3A_775 : f32 to vector<16xf32>
        %select_n3A_777 = arith.select %eq3A_774, %exp3A, %broadcast_in_dim3A_776 : vector<16xi1>, vector<16xf32>
        %add3A_778 = arith.addf %while3A_762, %select_n3A_777 : vector<16xf32>
        scf.yield %add3A_778 : vector<16xf32>
      }
      %while3A_702 = arith.constant 1 : i32
      %while3A_703 = scf.for %while3A_761 = %while3A_699 to %while3A_695 step %while3A_702 iter_args(%while3A_762 = %while3A_701) -> (vector<16xf32>)  : i32 {
        %mul3A_763 = arith.constant 16 : i32
        %mul3A_764 = arith.muli %while3A_761, %mul3A_763 : i32
        %get3A_765 = arith.index_cast %mul3A_764 : i32 to index
        %get3A_766 = tpu.vector_load %arg7[%get3A_765] {strides = array<i32>} : memref<1568xi32, #tpu.memory_space<vmem>>, vector<16xi32>,
        %get3A_767 = vector.shape_cast %get3A_766 : vector<16xi32> to vector<16xi32>
        %mul3A_768 = arith.constant 16 : i32
        %mul3A_769 = arith.muli %while3A_761, %mul3A_768 : i32
        %get3A_770 = arith.index_cast %mul3A_769 : i32 to index
        %get3A_771 = tpu.vector_load %arg6[%get3A_770] {strides = array<i32>} : memref<1568xf32, #tpu.memory_space<vmem>>, vector<16xf32>,
        %get3A_772 = vector.shape_cast %get3A_771 : vector<16xf32> to vector<16xf32>
        %eq3A_773 = vector.broadcast %while3A_638 : i32 to vector<16xi32>
        %eq3A_774 = arith.cmpi eq, %get3A_767, %eq3A_773 : vector<16xi32>
        %sub3A = arith.subf %get3A_772, %max3A_692 : vector<16xf32>
        %exp3A = math.exp %sub3A : vector<16xf32>
        %jit3A_775 = arith.constant 0.000000e+00 : f32
        %broadcast_in_dim3A_776 = vector.broadcast %jit3A_775 : f32 to vector<16xf32>
        %select_n3A_777 = arith.select %eq3A_774, %exp3A, %broadcast_in_dim3A_776 : vector<16xi1>, vector<16xf32>
        %add3A_778 = arith.addf %while3A_762, %select_n3A_777 : vector<16xf32>
        scf.yield %add3A_778 : vector<16xf32>
      }
      %lt3A_704 = arith.constant 0 : i32
      %lt3A_705 = vector.broadcast %lt3A_704 : i32 to vector<16xi32>
      %lt3A_706 = arith.cmpi slt, %select_n3A_550, %lt3A_705 : vector<16xi32>
      %add3A_707 = arith.constant 16 : i32
      %add3A_708 = vector.broadcast %add3A_707 : i32 to vector<16xi32>
      %add3A_709 = arith.addi %select_n3A_550, %add3A_708 : vector<16xi32>
      %select_n3A_710 = arith.select %lt3A_706, %add3A_709, %select_n3A_550 : vector<16xi1>, vector<16xi32>
      %broadcast_in_dim3A_711 = vector.shape_cast %select_n3A_710 : vector<16xi32> to vector<16x1xi32>
      %gather3A_712 = vector.shape_cast %broadcast_in_dim3A_711 : vector<16x1xi32> to vector<16xi32>
      %gather3A_713 = tpu.dynamic_gather %while3A_703[%gather3A_712] in [0] : vector<16xf32>, vector<16xi32> -> vector<16xf32>
      %add3A_714 = arith.addf %while3A_703, %gather3A_713 : vector<16xf32>
      %lt3A_715 = arith.constant 0 : i32
      %lt3A_716 = vector.broadcast %lt3A_715 : i32 to vector<16xi32>
      %lt3A_717 = arith.cmpi slt, %select_n3A_575, %lt3A_716 : vector<16xi32>
      %add3A_718 = arith.constant 16 : i32
      %add3A_719 = vector.broadcast %add3A_718 : i32 to vector<16xi32>
      %add3A_720 = arith.addi %select_n3A_575, %add3A_719 : vector<16xi32>
      %select_n3A_721 = arith.select %lt3A_717, %add3A_720, %select_n3A_575 : vector<16xi1>, vector<16xi32>
      %broadcast_in_dim3A_722 = vector.shape_cast %select_n3A_721 : vector<16xi32> to vector<16x1xi32>
      %gather3A_723 = vector.shape_cast %broadcast_in_dim3A_722 : vector<16x1xi32> to vector<16xi32>
      %gather3A_724 = tpu.dynamic_gather %add3A_714[%gather3A_723] in [0] : vector<16xf32>, vector<16xi32> -> vector<16xf32>
      %add3A_725 = arith.addf %add3A_714, %gather3A_724 : vector<16xf32>
      %lt3A_726 = arith.constant 0 : i32
      %lt3A_727 = vector.broadcast %lt3A_726 : i32 to vector<16xi32>
      %lt3A_728 = arith.cmpi slt, %select_n3A_600, %lt3A_727 : vector<16xi32>
      %add3A_729 = arith.constant 16 : i32
      %add3A_730 = vector.broadcast %add3A_729 : i32 to vector<16xi32>
      %add3A_731 = arith.addi %select_n3A_600, %add3A_730 : vector<16xi32>
      %select_n3A_732 = arith.select %lt3A_728, %add3A_731, %select_n3A_600 : vector<16xi1>, vector<16xi32>
      %broadcast_in_dim3A_733 = vector.shape_cast %select_n3A_732 : vector<16xi32> to vector<16x1xi32>
      %gather3A_734 = vector.shape_cast %broadcast_in_dim3A_733 : vector<16x1xi32> to vector<16xi32>
      %gather3A_735 = tpu.dynamic_gather %add3A_725[%gather3A_734] in [0] : vector<16xf32>, vector<16xi32> -> vector<16xf32>
      %add3A_736 = arith.addf %add3A_725, %gather3A_735 : vector<16xf32>
      %lt3A_737 = arith.constant 0 : i32
      %lt3A_738 = vector.broadcast %lt3A_737 : i32 to vector<16xi32>
      %lt3A_739 = arith.cmpi slt, %select_n3A_625, %lt3A_738 : vector<16xi32>
      %add3A_740 = arith.constant 16 : i32
      %add3A_741 = vector.broadcast %add3A_740 : i32 to vector<16xi32>
      %add3A_742 = arith.addi %select_n3A_625, %add3A_741 : vector<16xi32>
      %select_n3A_743 = arith.select %lt3A_739, %add3A_742, %select_n3A_625 : vector<16xi1>, vector<16xi32>
      %broadcast_in_dim3A_744 = vector.shape_cast %select_n3A_743 : vector<16xi32> to vector<16x1xi32>
      %gather3A_745 = vector.shape_cast %broadcast_in_dim3A_744 : vector<16x1xi32> to vector<16xi32>
      %gather3A_746 = tpu.dynamic_gather %add3A_736[%gather3A_745] in [0] : vector<16xf32>, vector<16xi32> -> vector<16xf32>
      %add3A_747 = arith.addf %add3A_736, %gather3A_746 : vector<16xf32>
      %mul3A_748 = arith.constant 16 : i32
      %mul3A_749 = arith.muli %while3A_638, %mul3A_748 : i32
      %swap3A_750 = arith.index_cast %mul3A_749 : i32 to index
      %swap3A_751 = tpu.vector_load %arg8[%swap3A_750] {strides = array<i32>} : memref<1024xf32, #tpu.memory_space<vmem>>, vector<16xf32>,
      %swap3A_752 = vector.shape_cast %swap3A_751 : vector<16xf32> to vector<16xf32>
      %swap3A_753 = vector.shape_cast %max3A_692 : vector<16xf32> to vector<16xf32>
      tpu.vector_store %arg8[%swap3A_750], %swap3A_753 {strides = array<i32>} : memref<1024xf32, #tpu.memory_space<vmem>>, vector<16xf32>,
      %mul3A_754 = arith.constant 16 : i32
      %mul3A_755 = arith.muli %while3A_638, %mul3A_754 : i32
      %swap3A_756 = arith.index_cast %mul3A_755 : i32 to index
      %swap3A_757 = tpu.vector_load %arg9[%swap3A_756] {strides = array<i32>} : memref<1024xf32, #tpu.memory_space<vmem>>, vector<16xf32>,
      %swap3A_758 = vector.shape_cast %swap3A_757 : vector<16xf32> to vector<16xf32>
      %swap3A_759 = vector.shape_cast %add3A_747 : vector<16xf32> to vector<16xf32>
      tpu.vector_store %arg9[%swap3A_756], %swap3A_759 {strides = array<i32>} : memref<1024xf32, #tpu.memory_space<vmem>>, vector<16xf32>,
      %while3A_760 = arith.constant 0 : i32
      scf.yield %while3A_760 : i32
    }
    "tpu.region"() ({
      %run_scoped3A = tpu.sem_alloc : memref<!tpu.dma_semaphore, #tpu.memory_space<semaphore_mem>>
      %dma_start3A = arith.constant 0 : i32
      %dma_start3A_638 = tpu.memref_slice %arg4[%add3A, %dma_start3A] : memref<32x1024xf32, #tpu.memory_space<hbm>> -> memref<1x1024xf32, #tpu.memory_space<hbm>>
      %dma_start3A_639 = tpu.memref_squeeze %dma_start3A_638 : memref<1x1024xf32, #tpu.memory_space<hbm>> -> memref<1024xf32, #tpu.memory_space<hbm>>
      %dma_start3A_640 = arith.constant 0 : i32
      %dma_start3A_641 = tpu.memref_slice %arg4[%add3A, %dma_start3A_640] : memref<32x1024xf32, #tpu.memory_space<hbm>> -> memref<1x1024xf32, #tpu.memory_space<hbm>>
      %dma_start3A_642 = tpu.memref_squeeze %dma_start3A_641 : memref<1x1024xf32, #tpu.memory_space<hbm>> -> memref<1024xf32, #tpu.memory_space<hbm>>
      tpu.enqueue_dma source(%arg8 : memref<1024xf32, #tpu.memory_space<vmem>>) target(%dma_start3A_642 : memref<1024xf32, #tpu.memory_space<hbm>>) target_semaphore(%run_scoped3A : memref<!tpu.dma_semaphore, #tpu.memory_space<semaphore_mem>>)
      %dma_wait3A = arith.constant 0 : i32
      %dma_wait3A_643 = tpu.memref_slice %arg4[%add3A, %dma_wait3A] : memref<32x1024xf32, #tpu.memory_space<hbm>> -> memref<1x1024xf32, #tpu.memory_space<hbm>>
      %dma_wait3A_644 = tpu.memref_squeeze %dma_wait3A_643 : memref<1x1024xf32, #tpu.memory_space<hbm>> -> memref<1024xf32, #tpu.memory_space<hbm>>
      %dma_wait3A_645 = arith.constant 0 : i32
      %dma_wait3A_646 = tpu.memref_slice %arg4[%add3A, %dma_wait3A_645] : memref<32x1024xf32, #tpu.memory_space<hbm>> -> memref<1x1024xf32, #tpu.memory_space<hbm>>
      %dma_wait3A_647 = tpu.memref_squeeze %dma_wait3A_646 : memref<1x1024xf32, #tpu.memory_space<hbm>> -> memref<1024xf32, #tpu.memory_space<hbm>>
      tpu.wait_dma2 semaphore(%run_scoped3A : memref<!tpu.dma_semaphore, #tpu.memory_space<semaphore_mem>>) src(%arg8 : memref<1024xf32, #tpu.memory_space<vmem>>) dst(%dma_wait3A_647 : memref<1024xf32, #tpu.memory_space<hbm>>)
      tpu.yield
    }) : () -> ()
    "tpu.region"() ({
      %run_scoped3A = tpu.sem_alloc : memref<!tpu.dma_semaphore, #tpu.memory_space<semaphore_mem>>
      %dma_start3A = arith.constant 0 : i32
      %dma_start3A_638 = tpu.memref_slice %arg5[%add3A, %dma_start3A] : memref<32x1024xf32, #tpu.memory_space<hbm>> -> memref<1x1024xf32, #tpu.memory_space<hbm>>
      %dma_start3A_639 = tpu.memref_squeeze %dma_start3A_638 : memref<1x1024xf32, #tpu.memory_space<hbm>> -> memref<1024xf32, #tpu.memory_space<hbm>>
      %dma_start3A_640 = arith.constant 0 : i32
      %dma_start3A_641 = tpu.memref_slice %arg5[%add3A, %dma_start3A_640] : memref<32x1024xf32, #tpu.memory_space<hbm>> -> memref<1x1024xf32, #tpu.memory_space<hbm>>
      %dma_start3A_642 = tpu.memref_squeeze %dma_start3A_641 : memref<1x1024xf32, #tpu.memory_space<hbm>> -> memref<1024xf32, #tpu.memory_space<hbm>>
      tpu.enqueue_dma source(%arg9 : memref<1024xf32, #tpu.memory_space<vmem>>) target(%dma_start3A_642 : memref<1024xf32, #tpu.memory_space<hbm>>) target_semaphore(%run_scoped3A : memref<!tpu.dma_semaphore, #tpu.memory_space<semaphore_mem>>)
      %dma_wait3A = arith.constant 0 : i32
      %dma_wait3A_643 = tpu.memref_slice %arg5[%add3A, %dma_wait3A] : memref<32x1024xf32, #tpu.memory_space<hbm>> -> memref<1x1024xf32, #tpu.memory_space<hbm>>
      %dma_wait3A_644 = tpu.memref_squeeze %dma_wait3A_643 : memref<1x1024xf32, #tpu.memory_space<hbm>> -> memref<1024xf32, #tpu.memory_space<hbm>>
      %dma_wait3A_645 = arith.constant 0 : i32
      %dma_wait3A_646 = tpu.memref_slice %arg5[%add3A, %dma_wait3A_645] : memref<32x1024xf32, #tpu.memory_space<hbm>> -> memref<1x1024xf32, #tpu.memory_space<hbm>>
      %dma_wait3A_647 = tpu.memref_squeeze %dma_wait3A_646 : memref<1x1024xf32, #tpu.memory_space<hbm>> -> memref<1024xf32, #tpu.memory_space<hbm>>
      tpu.wait_dma2 semaphore(%run_scoped3A : memref<!tpu.dma_semaphore, #tpu.memory_space<semaphore_mem>>) src(%arg9 : memref<1024xf32, #tpu.memory_space<vmem>>) dst(%dma_wait3A_647 : memref<1024xf32, #tpu.memory_space<hbm>>)
      tpu.yield
    }) : () -> ()
    return
  }
}

module attributes {stable_mosaic.version = 14 : i64} {
  func.func @_logits_body(%arg0: i32, %arg1: memref<2000x256xf32, #tpu.memory_space<vmem>>, %arg2: memref<256x1xf32, #tpu.memory_space<vmem>>, %arg3: memref<2000x1xf32, #tpu.memory_space<vmem>>) attributes {dimension_semantics = [#tpu.dimension_semantics<arbitrary>], iteration_bounds = array<i64: 25>, scalar_prefetch = 0 : i64, scratch_operands = 0 : i64, tpu.core_type = #tpu.core_type<tc>, window_params = [{transform_indices = @transform_0, window_bounds = array<i64: 2000, 256>}, {pipeline_mode = #tpu.pipeline_mode<synchronous>, transform_indices = @transform_1, window_bounds = array<i64: 256, 1>}, {transform_indices = @transform_2, window_bounds = array<i64: 2000, 1>}]} {
    %get3A = arith.constant 0 : index
    %get3A_0 = arith.constant 0 : index
    %get3A_1 = vector.load %arg1[%get3A, %get3A_0] : memref<2000x256xf32, #tpu.memory_space<vmem>>, vector<2000x256xf32>
    %get3A_2 = arith.constant 0 : index
    %get3A_3 = arith.constant 0 : index
    %get3A_4 = vector.load %arg2[%get3A_2, %get3A_3] : memref<256x1xf32, #tpu.memory_space<vmem>>, vector<256x1xf32>
    %dot_general3A = arith.constant dense<0.000000e+00> : vector<2000x1xf32>
    %dot_general3A_5 = tpu.matmul %get3A_1, %get3A_4, %dot_general3A {dimension_numbers = #tpu.dot_dimension_numbers<[1], [0], [0], [1], [0, 0, 1, 1], [], []>, transpose_lhs_hint = false} : vector<2000x256xf32>, vector<256x1xf32>, vector<2000x1xf32> -> vector<2000x1xf32>
    %swap3A = arith.constant 0 : index
    %swap3A_6 = arith.constant 0 : index
    %swap3A_7 = vector.load %arg3[%swap3A, %swap3A_6] : memref<2000x1xf32, #tpu.memory_space<vmem>>, vector<2000x1xf32>
    tpu.vector_store %arg3[%swap3A, %swap3A_6], %dot_general3A_5 {strides = array<i32>} : memref<2000x1xf32, #tpu.memory_space<vmem>>, vector<2000x1xf32>,
    return
  }
  func.func @transform_0(%arg0: i32) -> (i32, i32) {
    %c0_i32 = arith.constant 0 : i32
    %c0_i32_0 = arith.constant 0 : i32
    return %arg0, %c0_i32 : i32, i32
  }
  func.func @transform_1(%arg0: i32) -> (i32, i32) {
    %c0_i32 = arith.constant 0 : i32
    %c0_i32_0 = arith.constant 0 : i32
    %c0_i32_1 = arith.constant 0 : i32
    return %c0_i32, %c0_i32_0 : i32, i32
  }
  func.func @transform_2(%arg0: i32) -> (i32, i32) {
    %c0_i32 = arith.constant 0 : i32
    %c0_i32_0 = arith.constant 0 : i32
    return %arg0, %c0_i32 : i32, i32
  }
}

module attributes {stable_mosaic.version = 14 : i64} {
  func.func @_pool_body(%arg0: i32, %arg1: memref<2000x256xf32, #tpu.memory_space<vmem>>, %arg2: memref<1x1x2000xi32, #tpu.memory_space<vmem>>, %arg3: memref<2000x1xf32, #tpu.memory_space<vmem>>, %arg4: memref<32x1024xf32, #tpu.memory_space<vmem>>, %arg5: memref<32x1024xf32, #tpu.memory_space<vmem>>, %arg6: memref<64x256xf32, #tpu.memory_space<vmem>>, %arg7: memref<1x64xf32, #tpu.memory_space<vmem>>, %arg8: memref<1x64xf32, #tpu.memory_space<vmem>>, %arg9: memref<64x256xf32, #tpu.memory_space<vmem>>) attributes {dimension_semantics = [#tpu.dimension_semantics<arbitrary>], iteration_bounds = array<i64: 25>, scalar_prefetch = 0 : i64, scratch_operands = 3 : i64, tpu.core_type = #tpu.core_type<tc>, window_params = [{transform_indices = @transform_0, window_bounds = array<i64: 2000, 256>}, {transform_indices = @transform_1, window_bounds = array<i64: 1, 1, 2000>}, {transform_indices = @transform_2, window_bounds = array<i64: 2000, 1>}, {pipeline_mode = #tpu.pipeline_mode<synchronous>, transform_indices = @transform_3, window_bounds = array<i64: 32, 1024>}, {pipeline_mode = #tpu.pipeline_mode<synchronous>, transform_indices = @transform_4, window_bounds = array<i64: 32, 1024>}, {pipeline_mode = #tpu.pipeline_mode<synchronous>, transform_indices = @transform_5, window_bounds = array<i64: 64, 256>}]} {
    %eq3A = arith.constant 0 : i32
    %eq3A_0 = arith.cmpi eq, %arg0, %eq3A : i32
    %convert_element_type3A = arith.extui %eq3A_0 : i1 to i32
    %cond3A = arith.constant 0 : i32
    %cond3A_1 = arith.cmpi ne, %convert_element_type3A, %cond3A : i32
    scf.if %cond3A_1 {
      %iota3A_30 = tpu.iota {dimensions = array<i32: 0>} : vector<1024x64xi32>
      %iota3A_31 = tpu.iota {dimensions = array<i32: 1>} : vector<1024x64xi32>
      %mul3A = arith.constant 16 : i32
      %mul3A_32 = vector.broadcast %mul3A : i32 to vector<1024x64xi32>
      %mul3A_33 = arith.muli %iota3A_31, %mul3A_32 : vector<1024x64xi32>
      %eq3A_34 = arith.cmpi eq, %iota3A_30, %mul3A_33 : vector<1024x64xi32>
      %convert_element_type3A_35 = arith.extui %eq3A_34 : vector<1024x64xi1> to vector<1024x64xi32>
      %convert_element_type3A_36 = arith.sitofp %convert_element_type3A_35 : vector<1024x64xi32> to vector<1024x64xf32>
      %get3A_37 = arith.constant 0 : index
      %get3A_38 = arith.constant 0 : index
      %get3A_39 = vector.load %arg4[%get3A_37, %get3A_38] : memref<32x1024xf32, #tpu.memory_space<vmem>>, vector<32x1024xf32>
      %dot_general3A_40 = arith.constant dense<0.000000e+00> : vector<32x64xf32>
      %dot_general3A_41 = tpu.matmul %get3A_39, %convert_element_type3A_36, %dot_general3A_40 {dimension_numbers = #tpu.dot_dimension_numbers<[1], [0], [0], [1], [0, 0, 1, 1], [], []>, transpose_lhs_hint = false} : vector<32x1024xf32>, vector<1024x64xf32>, vector<32x64xf32> -> vector<32x64xf32>
      %get3A_42 = arith.constant 0 : index
      %get3A_43 = arith.constant 0 : index
      %get3A_44 = vector.load %arg5[%get3A_42, %get3A_43] : memref<32x1024xf32, #tpu.memory_space<vmem>>, vector<32x1024xf32>
      %dot_general3A_45 = arith.constant dense<0.000000e+00> : vector<32x64xf32>
      %dot_general3A_46 = tpu.matmul %get3A_44, %convert_element_type3A_36, %dot_general3A_45 {dimension_numbers = #tpu.dot_dimension_numbers<[1], [0], [0], [1], [0, 0, 1, 1], [], []>, transpose_lhs_hint = false} : vector<32x1024xf32>, vector<1024x64xf32>, vector<32x64xf32> -> vector<32x64xf32>
      %reduce_max3A = arith.constant dense<0xFF800000> : vector<64xf32>
      %reduce_max3A_47 = vector.multi_reduction <maximumf>, %dot_general3A_41, %reduce_max3A [0] : vector<32x64xf32> to vector<64xf32>
      %broadcast_in_dim3A_48 = vector.shape_cast %reduce_max3A_47 : vector<64xf32> to vector<1x64xf32>
      %sub3A_49 = vector.broadcast %broadcast_in_dim3A_48 : vector<1x64xf32> to vector<32x64xf32>
      %sub3A_50 = arith.subf %dot_general3A_41, %sub3A_49 : vector<32x64xf32>
      %min3A = arith.constant 0.000000e+00 : f32
      %min3A_51 = vector.broadcast %min3A : f32 to vector<32x64xf32>
      %min3A_52 = arith.minimumf %sub3A_50, %min3A_51 : vector<32x64xf32>
      %exp3A_53 = math.exp %min3A_52 : vector<32x64xf32>
      %mul3A_54 = arith.mulf %dot_general3A_46, %exp3A_53 : vector<32x64xf32>
      %reduce_sum3A = arith.constant dense<0.000000e+00> : vector<64xf32>
      %reduce_sum3A_55 = vector.multi_reduction <add>, %mul3A_54, %reduce_sum3A [0] : vector<32x64xf32> to vector<64xf32>
      %broadcast_in_dim3A_56 = vector.shape_cast %reduce_sum3A_55 : vector<64xf32> to vector<1x64xf32>
      %swap3A_57 = arith.constant 0 : index
      %swap3A_58 = arith.constant 0 : index
      %swap3A_59 = vector.load %arg7[%swap3A_57, %swap3A_58] : memref<1x64xf32, #tpu.memory_space<vmem>>, vector<1x64xf32>
      tpu.vector_store %arg7[%swap3A_57, %swap3A_58], %broadcast_in_dim3A_48 {strides = array<i32>} : memref<1x64xf32, #tpu.memory_space<vmem>>, vector<1x64xf32>,
      %add3A_60 = arith.constant 1.000000e-16 : f32
      %add3A_61 = vector.broadcast %add3A_60 : f32 to vector<1x64xf32>
      %add3A_62 = arith.addf %broadcast_in_dim3A_56, %add3A_61 : vector<1x64xf32>
      %div3A = arith.constant 1.000000e+00 : f32
      %div3A_63 = vector.broadcast %div3A : f32 to vector<1x64xf32>
      %div3A_64 = arith.divf %div3A_63, %add3A_62 : vector<1x64xf32>
      %swap3A_65 = arith.constant 0 : index
      %swap3A_66 = arith.constant 0 : index
      %swap3A_67 = vector.load %arg8[%swap3A_65, %swap3A_66] : memref<1x64xf32, #tpu.memory_space<vmem>>, vector<1x64xf32>
      tpu.vector_store %arg8[%swap3A_65, %swap3A_66], %div3A_64 {strides = array<i32>} : memref<1x64xf32, #tpu.memory_space<vmem>>, vector<1x64xf32>,
      %broadcast_in_dim3A_68 = arith.constant 0.000000e+00 : f32
      %broadcast_in_dim3A_69 = vector.broadcast %broadcast_in_dim3A_68 : f32 to vector<64x256xf32>
      %swap3A_70 = arith.constant 0 : index
      %swap3A_71 = arith.constant 0 : index
      %swap3A_72 = vector.load %arg9[%swap3A_70, %swap3A_71] : memref<64x256xf32, #tpu.memory_space<vmem>>, vector<64x256xf32>
      tpu.vector_store %arg9[%swap3A_70, %swap3A_71], %broadcast_in_dim3A_69 {strides = array<i32>} : memref<64x256xf32, #tpu.memory_space<vmem>>, vector<64x256xf32>,
    } else {
    }
    %get3A = arith.constant 0 : index
    %get3A_2 = arith.constant 0 : index
    %get3A_3 = vector.load %arg1[%get3A, %get3A_2] : memref<2000x256xf32, #tpu.memory_space<vmem>>, vector<2000x256xf32>
    %get3A_4 = arith.constant 0 : index
    %get3A_5 = arith.constant 0 : index
    %get3A_6 = vector.load %arg3[%get3A_4, %get3A_5] : memref<2000x1xf32, #tpu.memory_space<vmem>>, vector<2000x1xf32>
    %get3A_7 = arith.constant 0 : index
    %get3A_8 = arith.constant 0 : index
    %get3A_9 = arith.constant 0 : index
    %get3A_10 = vector.load %arg2[%get3A_7, %get3A_8, %get3A_9] : memref<1x1x2000xi32, #tpu.memory_space<vmem>>, vector<1x1x2000xi32>
    %get3A_11 = vector.shape_cast %get3A_10 : vector<1x1x2000xi32> to vector<2000xi32>
    %reshape3A = vector.shape_cast %get3A_11 : vector<2000xi32> to vector<2000x1xi32>
    %iota3A = tpu.iota {dimensions = array<i32: 1>} : vector<2000x64xi32>
    %get3A_12 = arith.constant 0 : index
    %get3A_13 = arith.constant 0 : index
    %get3A_14 = vector.load %arg7[%get3A_12, %get3A_13] : memref<1x64xf32, #tpu.memory_space<vmem>>, vector<1x64xf32>
    %sub3A = vector.broadcast %get3A_6 : vector<2000x1xf32> to vector<2000x64xf32>
    %sub3A_15 = vector.broadcast %get3A_14 : vector<1x64xf32> to vector<2000x64xf32>
    %sub3A_16 = arith.subf %sub3A, %sub3A_15 : vector<2000x64xf32>
    %exp3A = math.exp %sub3A_16 : vector<2000x64xf32>
    %eq3A_17 = vector.broadcast %reshape3A : vector<2000x1xi32> to vector<2000x64xi32>
    %eq3A_18 = arith.cmpi eq, %eq3A_17, %iota3A : vector<2000x64xi32>
    %jit3A = arith.constant 0.000000e+00 : f32
    %broadcast_in_dim3A = vector.broadcast %jit3A : f32 to vector<2000x64xf32>
    %select_n3A = arith.select %eq3A_18, %exp3A, %broadcast_in_dim3A : vector<2000x64xi1>, vector<2000x64xf32>
    %get3A_19 = arith.constant 0 : index
    %get3A_20 = arith.constant 0 : index
    %get3A_21 = vector.load %arg9[%get3A_19, %get3A_20] : memref<64x256xf32, #tpu.memory_space<vmem>>, vector<64x256xf32>
    %dot_general3A = arith.constant dense<0.000000e+00> : vector<64x256xf32>
    %dot_general3A_22 = tpu.matmul %select_n3A, %get3A_3, %dot_general3A {dimension_numbers = #tpu.dot_dimension_numbers<[0], [0], [1], [1], [0, 1, 1, 1], [], []>, transpose_lhs_hint = false} : vector<2000x64xf32>, vector<2000x256xf32>, vector<64x256xf32> -> vector<64x256xf32>
    %add3A = arith.addf %get3A_21, %dot_general3A_22 : vector<64x256xf32>
    %swap3A = arith.constant 0 : index
    %swap3A_23 = arith.constant 0 : index
    %swap3A_24 = vector.load %arg9[%swap3A, %swap3A_23] : memref<64x256xf32, #tpu.memory_space<vmem>>, vector<64x256xf32>
    tpu.vector_store %arg9[%swap3A, %swap3A_23], %add3A {strides = array<i32>} : memref<64x256xf32, #tpu.memory_space<vmem>>, vector<64x256xf32>,
    %eq3A_25 = arith.constant 24 : i32
    %eq3A_26 = arith.cmpi eq, %arg0, %eq3A_25 : i32
    %convert_element_type3A_27 = arith.extui %eq3A_26 : i1 to i32
    %cond3A_28 = arith.constant 0 : i32
    %cond3A_29 = arith.cmpi ne, %convert_element_type3A_27, %cond3A_28 : i32
    scf.if %cond3A_29 {
      %get3A_30 = arith.constant 0 : index
      %get3A_31 = arith.constant 0 : index
      %get3A_32 = vector.load %arg9[%get3A_30, %get3A_31] : memref<64x256xf32, #tpu.memory_space<vmem>>, vector<64x256xf32>
      %get3A_33 = arith.constant 0 : index
      %get3A_34 = arith.constant 0 : index
      %get3A_35 = vector.load %arg8[%get3A_33, %get3A_34] : memref<1x64xf32, #tpu.memory_space<vmem>>, vector<1x64xf32>
      %reshape3A_36 = vector.shape_cast %get3A_35 : vector<1x64xf32> to vector<64x1xf32>
      %mul3A = vector.broadcast %reshape3A_36 : vector<64x1xf32> to vector<64x256xf32>
      %mul3A_37 = arith.mulf %get3A_32, %mul3A : vector<64x256xf32>
      %swap3A_38 = arith.constant 0 : index
      %swap3A_39 = arith.constant 0 : index
      %swap3A_40 = vector.load %arg6[%swap3A_38, %swap3A_39] : memref<64x256xf32, #tpu.memory_space<vmem>>, vector<64x256xf32>
      tpu.vector_store %arg6[%swap3A_38, %swap3A_39], %mul3A_37 {strides = array<i32>} : memref<64x256xf32, #tpu.memory_space<vmem>>, vector<64x256xf32>,
    } else {
    }
    return
  }
  func.func @transform_0(%arg0: i32) -> (i32, i32) {
    %c0_i32 = arith.constant 0 : i32
    %c0_i32_0 = arith.constant 0 : i32
    return %arg0, %c0_i32 : i32, i32
  }
  func.func @transform_1(%arg0: i32) -> (i32, i32, i32) {
    %c0_i32 = arith.constant 0 : i32
    %c0_i32_0 = arith.constant 0 : i32
    %c0_i32_1 = arith.constant 0 : i32
    return %arg0, %c0_i32, %c0_i32_0 : i32, i32, i32
  }
  func.func @transform_2(%arg0: i32) -> (i32, i32) {
    %c0_i32 = arith.constant 0 : i32
    %c0_i32_0 = arith.constant 0 : i32
    return %arg0, %c0_i32 : i32, i32
  }
  func.func @transform_3(%arg0: i32) -> (i32, i32) {
    %c0_i32 = arith.constant 0 : i32
    %c0_i32_0 = arith.constant 0 : i32
    %c0_i32_1 = arith.constant 0 : i32
    return %c0_i32, %c0_i32_0 : i32, i32
  }
  func.func @transform_4(%arg0: i32) -> (i32, i32) {
    %c0_i32 = arith.constant 0 : i32
    %c0_i32_0 = arith.constant 0 : i32
    %c0_i32_1 = arith.constant 0 : i32
    return %c0_i32, %c0_i32_0 : i32, i32
  }
  func.func @transform_5(%arg0: i32) -> (i32, i32) {
    %c0_i32 = arith.constant 0 : i32
    %c0_i32_0 = arith.constant 0 : i32
    %c0_i32_1 = arith.constant 0 : i32
    return %c0_i32, %c0_i32_0 : i32, i32
  }
}

</mosaic_0001>

<sc_bundles>
// kernel: kernel.5.cloned.1.call-start
scs
__scs_entry_jumppad:
0x0: {  	(pc) =	sbr.rel $0x88, $3  }
0x1: {  	(tag) =	ssettag $0x0;
	lr =	simm.s32 $0x1  }
0x2: {  	[smem:$0x3F9E] =	sst lr;
	_ =	strace $0xD0000000  }
0x3: {  	_ = 	snop  }
0x4: {  	_ = 	snop  }
0x5: {  	_ = 	snop  }
0x6: {  	_ = 	snop  }
0x7: {  	_ = 	snop  }
__scs_overlays_trampoline_lowered:
0x8: {  	[smem:$0x3FAD] =	sst s0  }
0x9: {  	[smem:$0x3FAE] =	sst s1  }
0xa: {  	[smem:$0x3FAF] =	sst s2  }
0xb: {  	[smem:$0x3FB0] =	sst s3  }
0xc: {  	[smem:$0x3FB1] =	sst s4  }
0xd: {  	[smem:$0x3FB2] =	sst s5  }
0xe: {  	[smem:$0x3FB3] =	sst s6  }
0xf: {  	[smem:$0x3FB4] =	sst s7  }
0x10: {  	[smem:$0x3FB5] =	sst s8  }
0x11: {  	[smem:$0x3FB6] =	sst s9;
	s0 =	simm.s32 @!p0 $0x0  }
0x12: {  	s1 =	sld [smem:$0x3F9C];
	s0 =	simm.s32 @p0 $0x1  }
0x13: {  	[smem:$0x3FB7] =	sst s0;
	s0 =	simm.s32 @!p1 $0x0  }
0x14: {  	s2 =	sld [smem:$0x3F9B];
	s0 =	simm.s32 @p1 $0x1  }
0x15: {  	[smem:$0x3FB8] =	sst s0;
	s0 =	simm.s32 @!p2 $0x0  }
0x16: {  	s3 =	sld [smem:$0x3FDB];
	s0 =	simm.s32 @p2 $0x1  }
0x17: {  	s4 =	simm.s32 $0x1BF5;
	[smem:$0x3FBA] =	sst s0  }
0x18: {  	s0 =	sld [smem:$0x3F9D];
	_ =	swait.ge [sflag:s4], $0x0  }
0x19: {  	s7 =	sld [smem:$0x3F9E]  }
0x1a: {  	s8 =	sadd.s32 $0xFFFFE003, lr  }
0x1b: {  	s9 =	sadd.s32 $0xFFFFFEF7, lr;
	s5 =	simm.s32 $0xFFFFFFFF;
	p2 =	slt.u32 s8, $0xFFFFF086  }
0x1c: {  	p1 =	slt.u32 s9, $0xF7A;
	s5 =	simm.s32 @!p2 $0x0  }
0x1d: {  	s5 =	simm.s32 @p1 $0x1;
	p0 =	seq.s32 s7, s2  }
0x1e: {  	s7 =	smul.u32 @!p0 $0xF7A, s2;
	p2 =	seq.s32 @!p0 s5, $0x0  }
0x1f: {  	s9 =	smul.u32 $0xF7A, s1;
	s8 =	simm.s32 @!p0 $0x1BF5;
	p2 =	por !p2, p0  }
0x20: {  	[sflag:s8] =	ssyncset.s32 @!p0 $0xFFFFF086;
	s6 =	sadd.s32 @!p0 s3, s7;
	s7 =	simm.s32 @!p0 $0x108  }
0x21: {  	s3 =	sadd.s32 s3, s9;
	s6 =	sadd.s32 @!p0 $0x88, s6;
	s7 =	simm.s32 @p2 $0x1082  }
0x22: {  	[simem:s7], [sflag:s8] =	dma.local @!p0 [hbm:s6], $0xF7A  }
0x23: {  	s9 =	sor.u32 $0xD0000000, s2;
	s6 =	simm.s32 $0x108;
	_ =	swait.ge @!p0 [sflag:s8], $0x0  }
0x24: {  	s3 =	sadd.s32 $0x88, s3;
	s6 =	simm.s32 @!p1 $0x1082;
	[sflag:s4] =	ssyncset.s32 $0xFFFFF086  }
0x25: {  	[simem:s6], [sflag:s4] =	dma.local [hbm:s3], $0xF7A  }
0x26: {  	[smem:$0x3F9E] =	sst s1;
	(tag) =	ssettag s2;
	_ =	strace s9  }
0x27: {  	s1 =	sld [smem:$0x3FAE]  }
0x28: {  	s2 =	sld [smem:$0x3FAF]  }
0x29: {  	s4 =	sld [smem:$0x3FB1]  }
0x2a: {  	p0 =	seq.s32 s5, $0x0;
	s5 =	sld [smem:$0x3FB2]  }
0x2b: {  	s6 =	sld [smem:$0x3FB3]  }
0x2c: {  	s7 =	sld [smem:$0x3FB4]  }
0x2d: {  	s3 =	simm.s32 $0x108;
	s8 =	sld [smem:$0x3FB5]  }
0x2e: {  	s3 =	simm.s32 @!p0 $0x1082;
	s9 =	sld [smem:$0x3FB6]  }
0x2f: {  	lr =	sadd.s32 s0, s3;
	s0 =	sld [smem:$0x3FAD]  }
0x30: {  	s3 =	sld [smem:$0x3FB0]  }
0x31: {  	[smem:$0x3FB9] =	sst s10  }
0x32: {  	s10 =	sld [smem:$0x3FB7];
	_ =	sdelay $0x3  }
0x33: {  	p0 =	seq.s32 s10, $0x1;
	s10 =	sld [smem:$0x3FB9];
	_ =	sdelay $0x3  }
0x34: {  	[smem:$0x3FB9] =	sst s10  }
0x35: {  	s10 =	sld [smem:$0x3FB8];
	_ =	sdelay $0x3  }
0x36: {  	p1 =	seq.s32 s10, $0x1;
	s10 =	sld [smem:$0x3FB9];
	_ =	sdelay $0x3  }
0x37: {  	[smem:$0x3FB9] =	sst s10  }
0x38: {  	s10 =	sld [smem:$0x3FBA]  }
0x39: {  	_ = 	snop;
	(pc) =	sbr.ind lr, $3  }
0x3a: {  	_ = 	snop  }
0x3b: {  	_ = 	snop  }
0x3c: {  	p2 =	seq.s32 s10, $0x1;
	s10 =	sld [smem:$0x3FB9]  }
0x3d: {  	_ =	shalt  }
0x3e: {  	_ =	shalt  }
0x3f: {  	_ =	shalt  }
0x40: {  	_ =	shalt  }
0x41: {  	_ =	shalt  }
0x42: {  	_ =	shalt  }
0x43: {  	_ =	shalt  }
0x44: {  	_ =	shalt  }
0x45: {  	_ =	shalt  }
0x46: {  	_ =	shalt  }
0x47: {  	_ =	shalt  }
0x48: {  	_ =	shalt  }
0x49: {  	_ =	shalt  }
0x4a: {  	_ =	shalt  }
0x4b: {  	_ =	shalt  }
0x4c: {  	_ =	shalt  }
0x4d: {  	_ =	shalt  }
0x4e: {  	_ =	shalt  }
0x4f: {  	_ =	shalt  }
0x50: {  	_ =	shalt  }
0x51: {  	_ =	shalt  }
0x52: {  	_ =	shalt  }
0x53: {  	_ =	shalt  }
0x54: {  	_ =	shalt  }
0x55: {  	_ =	shalt  }
0x56: {  	_ =	shalt  }
0x57: {  	_ =	shalt  }
0x58: {  	_ =	shalt  }
0x59: {  	_ =	shalt  }
0x5a: {  	_ =	shalt  }
0x5b: {  	_ =	shalt  }
0x5c: {  	_ =	shalt  }
0x5d: {  	_ =	shalt  }
0x5e: {  	_ =	shalt  }
0x5f: {  	_ =	shalt  }
0x60: {  	_ =	shalt  }
0x61: {  	_ =	shalt  }
0x62: {  	_ =	shalt  }
0x63: {  	_ =	shalt  }
0x64: {  	_ =	shalt  }
0x65: {  	_ =	shalt  }
0x66: {  	_ =	shalt  }
0x67: {  	_ =	shalt  }
0x68: {  	_ =	shalt  }
0x69: {  	_ =	shalt  }
0x6a: {  	_ =	shalt  }
0x6b: {  	_ =	shalt  }
0x6c: {  	_ =	shalt  }
0x6d: {  	_ =	shalt  }
0x6e: {  	_ =	shalt  }
0x6f: {  	_ =	shalt  }
0x70: {  	_ =	shalt  }
0x71: {  	_ =	shalt  }
0x72: {  	_ =	shalt  }
0x73: {  	_ =	shalt  }
0x74: {  	_ =	shalt  }
0x75: {  	_ =	shalt  }
0x76: {  	_ =	shalt  }
0x77: {  	_ =	shalt  }
0x78: {  	_ =	shalt  }
0x79: {  	_ =	shalt  }
0x7a: {  	_ =	shalt  }
0x7b: {  	_ =	shalt  }
0x7c: {  	_ =	shalt  }
0x7d: {  	_ =	shalt  }
0x7e: {  	_ =	shalt  }
0x7f: {  	_ =	shalt  }
0x80: {  	_ =	shalt  }
0x81: {  	_ =	shalt  }
0x82: {  	_ =	shalt  }
0x83: {  	_ =	shalt  }
0x84: {  	_ =	shalt  }
0x85: {  	_ =	shalt  }
0x86: {  	_ =	shalt  }
0x87: {  	_ =	shalt  }
.Lfunc_end0:
.L_simem_size_0:
called_computation_lowered:
.L_overlay_start_0:
0x88: {  	s2 =	sld [smem:$0x3FD9]  }
0x89: {  	s3 =	sld [smem:$0x3FFE];
	_ =	sdelay $0x1  }
0x8a: {  	s1 =	srdreg.scid  }
0x8b: {  	s0 =	sand.u32 $0x1, s1  }
0x8c: {  	s17 =	sshll.u32 s0, $0xA;
	s2 =	sadd.s32 s3, s2  }
0x8d: {  	s2 =	sadd.s32 s2, s17  }
0x8e: {  	[smem:$0x3FC5] =	sst s2  }
0x8f: {  	_ = 	snop  }
0x90: {  	s2 =	sld [smem:$0x3FC8];
	(tm) =	ssettm $0x1  }
0x91: {  	s18 =	sld [smem:$0x3FFB];
	_ =	sdelay $0x3  }
0x92: {  	_ =	strace s18  }
0x93: {  	s3 =	sld [smem:$0x3FFC];
	_ =	sdelay $0x3  }
0x94: {  	_ =	strace s3  }
0x95: {  	s3 =	sld [smem:$0x3FFD];
	_ =	sdelay $0x3  }
0x96: {  	_ =	strace s3  }
0x97: {  	_ =	strace $0x8FFFFFFF  }
0x98: {  	s19 =	sld [smem:$0x3FDB];
	_ =	sdelay $0x1  }
0x99: {  	s4 =	simm.s32 $_scs_section_size  }
0x9a: {  	s5 =	simm.s32 $_size__tile_overlayer_lowered;
	s6 =	simm.s32 $_tile_overlayer_lowered  }
0x9b: {  	s22 =	simm.s32 $0x1BFF;
	s21 =	sshll.u32 s6, $0x1;
	s3 =	sadd.s32 s4, s19  }
0x9c: {  	s7 =	simm.s32 $0x0;
	s20 =	sshll.u32 s5, $0x1;
	s5 =	sadd.s32 s21, s3  }
0x9d: {  	[timem:s7], [sflag:s22] =	dma.local [hbm:s5], s20  }
0x9e: {  	_ =	swait.ge [sflag:s22], s20  }
0x9f: {  	s4 =	ssub.s32 $0x0, s20;
	[sflag:s22] =	ssyncset.done $0x0  }
0xa0: {  	[sflag:s22] =	ssyncadd.s32 s4;
	_ =	sdelay $0x1  }
0xa1: {  	s23 =	simm.s32 $0x1B8B  }
0xa2: {  	_ =	swait.ge [sflag:s23], $0x1  }
0xa3: {  	[sflag:s23] =	ssyncset.done $0x0  }
0xa4: {  	s25 =	simm.s32 $0x1B8E;
	s24 =	sld [smem:$0x3FFE];
	[sflag:s23] =	ssyncadd.s32 $0xFFFFFFFF  }
0xa5: {  	s26 =	simm.s32 $execute0_lowered;
	[smem:$0x3FD2] =	sst s25  }
0xa6: {  	s5 =	sshll.u32 s26, $0x1;
	_ =	strace $0x80000046;
	[dreg:$0x1] =	wrdreg $0xFFFFFFFF  }
0xa7: {  	s28 =	simm.s32 $_size_execute0_lowered;
	s3 =	sadd.s32 s3, s5;
	[dreg:$0x0] =	wrdreg $0x0  }
0xa8: {  	s5 =	sshll.u32 s28, $0x1;
	[dreg:$0x2] =	wrdreg s3  }
0xa9: {  	[dreg:$0x3] =	wrdreg s5  }
0xaa: {  	[dreg:$0x4] =	wrdreg $0xC0  }
0xab: {  	_ =	task [dreg:s7], $0x5FFFF  }
0xac: {  	[dreg:$0x1] =	wrdreg $0xFFFFFFFF  }
0xad: {  	[dreg:$0x0] =	wrdreg $0x60  }
0xae: {  	[dreg:$0x2] =	wrdreg s24  }
0xaf: {  	[dreg:$0x3] =	wrdreg s2  }
0xb0: {  	[dreg:$0x4] =	wrdreg $0x9  }
0xb1: {  	_ =	task.clear_ibuf [dreg:s7], $0x5FFFF;
	_ =	strace $0x90000046  }
0xb2: {  	s29 =	simm.s32 $0x9;
	_ =	strace $0x80000048  }
0xb3: {  	_ =	swait.ge [sflag:s29], $0x1  }
0xb4: {  	[sflag:s29] =	ssyncadd.s32 $0xFFFFFFFF  }
0xb5: {  	_ =	strace $0x90000048  }
0xb6: {  	_ =	sfence  }
0xb7: {  	s30 =	sld [smem:$0x0];
	_ =	sdelay $0x2  }
0xb8: {  	s31 =	sshll.u32 s1, $0xD;
	s1 =	sshrl.u32 s1, $0x2  }
0xb9: {  	s3 =	sand.u32 $0x4000, s31;
	s1 =	sadd.s32 s1, s30  }
0xba: {  	s0 =	sor.u32 s3, s0;
	s1 =	sshll.u32 s1, $0x11  }
0xbb: {  	s0 =	sor.u32 s1, s0  }
0xbc: {  	s0 =	sadd.s32 $0x8F2B, s0  }
0xbd: {  	[sflag:s0] =	ssyncadd.remote.s32 $0x1  }
0xbe: {  	_ =	sfence.sel $0xFFFF  }
0xbf: {  	[dreg:$0x0] =	wrdreg $0xFFFFFFFF;
	(pc) =	sbr.abs _section_cstart, $3  }
0xc0: {  	[dreg:$0x1] =	wrdreg $0xFFFFFFFF  }
0xc1: {  	_ =	task.clear_ibuf [dreg:s7], $0x2FFFF;
	_ =	strace $0x9FFFFFFF  }
0xc2: {  	(tm) =	ssettm $0x7FFFFFFF  }
0xc3: {  	_ =	shalt  }
tec
execute0_lowered:
.L_overlay_start_1:
0x0: {  	(tag) =	ssettag $0x1  }
0x1: {  	s3 =	rddreg [dreg:$0x0]  }
0x2: {  	s4 =	rddreg [dreg:$0x1]  }
0x3: {  	s0 =	rddreg [dreg:$0x2];
	s5 =	srdreg.scid  }
0x4: {  	v0 =	vimm.s32 $0xFEDCBA98;
	s1 =	stileid.u32;
	s2 =	simm.s32 $0x0;
	s9 =	simm.s32 $0xB  }
0x5: {  	v1 =	vimm.s32 $0x76543210;
	v2 =	vimm.s32 $0x3210FEDC;
	s12 =	simm.s32 $0x80;
	s13 =	simm.s32 $0x400;
	s14 =	simm.s32 $0xD00  }
0x6: {  	v3 =	vimm.s32 $0xBA987654;
	v4 =	vimm.s32 $0x10FEDCBA;
	s15 =	simm.s32 $0x1100;
	s5 =	sand.u32 $0x1, s5;
	s6 =	sshll.u32 s1, $0x1  }
0x7: {  	v5 =	vimm.s32 $0x98765432;
	v6 =	vimm.s32 $0xFEDCBA9;
	s16 =	simm.s32 $0x0;
	[smem:$0x7FF] =	sst s2;
	s6 =	sor.u32 s5, s6  }
0x8: {  	v7 =	vimm.s32 $0x87654321;
	v0 =	vunpack.c.l.s4.s8 v0;
	v1 =	vunpack.c.l.s4.s8 v1;
	s8 =	sshll.u32 s1, $0x8;
	s5 =	ssub.s32 $0x2, s5;
	s7 =	smul.u32 $0xC4, s6  }
0x9: {  	v2 =	vunpack.c.l.s4.s8 v2;
	v3 =	vunpack.c.l.s4.s8 v3;
	v4 =	vunpack.c.l.s4.s8 v4;
	p0 =	seq.s32 s6, $0x1F;
	s6 =	sshll.u32 s6, $0x4;
	s31 =	sshrl.u32 s5, $0x1  }
0xa: {  	v5 =	vunpack.c.l.s4.s8 v5;
	v6 =	vunpack.c.l.s4.s8 v6;
	v7 =	vunpack.c.l.s4.s8 v7;
	_ =	strace $0x80000047;
	s6 =	sor.u32 s8, s6;
	s8 =	ssub.s32 s5, s31  }
.Ltmp0:
0xb: {  	v0 =	vunpack.c.0.s8.s32 v0;
	v1 =	vunpack.c.0.s8.s32 v1;
	v2 =	vunpack.c.0.s8.s32 v2;
	s9 =	simm.s32 @!p0 $0x0;
	s7 =	simm.s32 @p0 $0x17A6;
	(pc) =	sbr.rel .LBB2_1-.Ltmp0, $4  }
0xc: {  	v3 =	vunpack.c.0.s8.s32 v3;
	v4 =	vunpack.c.0.s8.s32 v4;
	v5 =	vunpack.c.0.s8.s32 v5;
	s6 =	sand.u32 $0xC70, s6;
	s5 =	sshll.u32 s9, $0x4;
	s8 =	smax.u32 s8, $0x1  }
0xd: {  	v6 =	vunpack.c.0.s8.s32 v6;
	v7 =	vunpack.c.0.s8.s32 v7;
	v0 =	vand.u32 $0xF, v0;
	s9 =	sshll.u32 s9, $0x6;
	s10 =	sadd.s32 s7, s3;
	s11 =	sadd.s32 s6, s3  }
0xe: {  	s4 =	sadd.s32 s4, s7;
	v0 =	vcombine.low v0, v1;
	v1 =	vcombine.low v3, v2;
	v2 =	vimm.f32 $-1.000000020e+30;
	s3 =	sadd.s32 $0xC4000, s10;
	s6 =	sadd.s32 $0xC5A00, s11  }
0xf: {  	v3 =	vcombine.low v5, v4;
	v4 =	vimm.f32 $0.0e+00;
	v5 =	vcombine.low v7, v6;
	s7 =	sadd.s32 $0xC6A00, s11;
	s10 =	simm.s32 $0x1;
	s11 =	simm.s32 $0x680  }
.LBB2_13:
0x10: {  	[hbm4b:s6+s12] =	stream.strided.scatter [tilespmem:s14], [sflag:$0x1], $0x400, s13, s12, $0x38;
	[tilespmem:$0x1500] =	vst v63  }
0x11: {  	s16 =	sadd.s32 $0x1, s16;
	_ =	swait.ge [sflag:s10], $0x400  }
0x12: {  	p0 =	sne.s32 s16, s8;
	[sflag:s10] =	ssyncset.done $0x0  }
.Ltmp1:
0x13: {  	[sflag:s10] =	ssyncadd.s32 $0xFFFFFC00;
	(pc) =	sbr.rel @!p0 .LBB2_14-.Ltmp1, $4  }
0x14: {  	[hbm4b:s7+s12] =	stream.strided.scatter [tilespmem:s15], [sflag:$0x1], $0x400, s13, s12, $0x38;
	[tilespmem:$0x1500] =	vst v63  }
0x15: {  	_ =	swait.ge [sflag:s10], $0x400  }
0x16: {  	[sflag:s10] =	ssyncset.done $0x0  }
0x17: {  	[sflag:s10] =	ssyncadd.s32 $0xFFFFFC00  }
.LBB2_1:
0x18: {  	[tilespmem:s2], [sflag:$0x1] =	stream.linear.gather [hbm4b:s3+s2], $0x620, $0x38;
	[tilespmem:$0x1500] =	vst v63  }
0x19: {  	_ =	swait.ge [sflag:s10], $0x620  }
0x1a: {  	[sflag:s10] =	ssyncset.done $0x0  }
0x1b: {  	[sflag:s10] =	ssyncadd.s32 $0xFFFFF9E0  }
0x1c: {  	[tilespmem:s11], [sflag:$0x1] =	stream.linear.gather [hbm4b:s4+s2], $0x620, $0x38;
	[tilespmem:$0x1500] =	vst v63  }
0x1d: {  	_ =	swait.ge [sflag:s10], $0x620  }
0x1e: {  	[sflag:s10] =	ssyncset.done $0x0  }
0x1f: {  	[sflag:s10] =	ssyncadd.s32 $0xFFFFF9E0  }
0x20: {  	[tilespmem:$0xD00] =	vst v2  }
0x21: {  	[tilespmem:$0x1100] =	vst v4  }
0x22: {  	[tilespmem:$0xD10] =	vst v2  }
0x23: {  	[tilespmem:$0x1110] =	vst v4  }
0x24: {  	[tilespmem:$0xD20] =	vst v2  }
0x25: {  	[tilespmem:$0x1120] =	vst v4  }
0x26: {  	[tilespmem:$0xD30] =	vst v2  }
0x27: {  	[tilespmem:$0x1130] =	vst v4  }
0x28: {  	[tilespmem:$0xD40] =	vst v2  }
0x29: {  	[tilespmem:$0x1140] =	vst v4  }
0x2a: {  	[tilespmem:$0xD50] =	vst v2  }
0x2b: {  	[tilespmem:$0x1150] =	vst v4  }
0x2c: {  	[tilespmem:$0xD60] =	vst v2  }
0x2d: {  	[tilespmem:$0x1160] =	vst v4  }
0x2e: {  	[tilespmem:$0xD70] =	vst v2  }
0x2f: {  	[tilespmem:$0x1170] =	vst v4  }
0x30: {  	[tilespmem:$0xD80] =	vst v2  }
0x31: {  	[tilespmem:$0x1180] =	vst v4  }
0x32: {  	[tilespmem:$0xD90] =	vst v2  }
0x33: {  	[tilespmem:$0x1190] =	vst v4  }
0x34: {  	[tilespmem:$0xDA0] =	vst v2  }
0x35: {  	[tilespmem:$0x11A0] =	vst v4  }
0x36: {  	[tilespmem:$0xDB0] =	vst v2  }
0x37: {  	[tilespmem:$0x11B0] =	vst v4  }
0x38: {  	[tilespmem:$0xDC0] =	vst v2  }
0x39: {  	[tilespmem:$0x11C0] =	vst v4  }
0x3a: {  	[tilespmem:$0xDD0] =	vst v2  }
0x3b: {  	[tilespmem:$0x11D0] =	vst v4  }
0x3c: {  	[tilespmem:$0xDE0] =	vst v2  }
0x3d: {  	[tilespmem:$0x11E0] =	vst v4  }
0x3e: {  	[tilespmem:$0xDF0] =	vst v2  }
0x3f: {  	[tilespmem:$0x11F0] =	vst v4  }
0x40: {  	[tilespmem:$0xE00] =	vst v2  }
0x41: {  	[tilespmem:$0x1200] =	vst v4  }
0x42: {  	[tilespmem:$0xE10] =	vst v2  }
0x43: {  	[tilespmem:$0x1210] =	vst v4  }
0x44: {  	[tilespmem:$0xE20] =	vst v2  }
0x45: {  	[tilespmem:$0x1220] =	vst v4  }
0x46: {  	[tilespmem:$0xE30] =	vst v2  }
0x47: {  	[tilespmem:$0x1230] =	vst v4  }
0x48: {  	[tilespmem:$0xE40] =	vst v2  }
0x49: {  	[tilespmem:$0x1240] =	vst v4  }
0x4a: {  	[tilespmem:$0xE50] =	vst v2  }
0x4b: {  	[tilespmem:$0x1250] =	vst v4  }
0x4c: {  	[tilespmem:$0xE60] =	vst v2  }
0x4d: {  	[tilespmem:$0x1260] =	vst v4  }
0x4e: {  	[tilespmem:$0xE70] =	vst v2  }
0x4f: {  	[tilespmem:$0x1270] =	vst v4  }
0x50: {  	[tilespmem:$0xE80] =	vst v2  }
0x51: {  	[tilespmem:$0x1280] =	vst v4  }
0x52: {  	[tilespmem:$0xE90] =	vst v2  }
0x53: {  	[tilespmem:$0x1290] =	vst v4  }
0x54: {  	[tilespmem:$0xEA0] =	vst v2  }
0x55: {  	[tilespmem:$0x12A0] =	vst v4  }
0x56: {  	[tilespmem:$0xEB0] =	vst v2  }
0x57: {  	[tilespmem:$0x12B0] =	vst v4  }
0x58: {  	[tilespmem:$0xEC0] =	vst v2  }
0x59: {  	[tilespmem:$0x12C0] =	vst v4  }
0x5a: {  	[tilespmem:$0xED0] =	vst v2  }
0x5b: {  	[tilespmem:$0x12D0] =	vst v4  }
0x5c: {  	[tilespmem:$0xEE0] =	vst v2  }
0x5d: {  	[tilespmem:$0x12E0] =	vst v4  }
0x5e: {  	[tilespmem:$0xEF0] =	vst v2  }
0x5f: {  	[tilespmem:$0x12F0] =	vst v4  }
0x60: {  	[tilespmem:$0xF00] =	vst v2  }
0x61: {  	[tilespmem:$0x1300] =	vst v4  }
0x62: {  	[tilespmem:$0xF10] =	vst v2  }
0x63: {  	[tilespmem:$0x1310] =	vst v4  }
0x64: {  	[tilespmem:$0xF20] =	vst v2  }
0x65: {  	[tilespmem:$0x1320] =	vst v4  }
0x66: {  	[tilespmem:$0xF30] =	vst v2  }
0x67: {  	[tilespmem:$0x1330] =	vst v4  }
0x68: {  	[tilespmem:$0xF40] =	vst v2  }
0x69: {  	[tilespmem:$0x1340] =	vst v4  }
0x6a: {  	[tilespmem:$0xF50] =	vst v2  }
0x6b: {  	[tilespmem:$0x1350] =	vst v4  }
0x6c: {  	[tilespmem:$0xF60] =	vst v2  }
0x6d: {  	[tilespmem:$0x1360] =	vst v4  }
0x6e: {  	[tilespmem:$0xF70] =	vst v2  }
0x6f: {  	[tilespmem:$0x1370] =	vst v4  }
0x70: {  	[tilespmem:$0xF80] =	vst v2  }
0x71: {  	[tilespmem:$0x1380] =	vst v4  }
0x72: {  	[tilespmem:$0xF90] =	vst v2  }
0x73: {  	[tilespmem:$0x1390] =	vst v4  }
0x74: {  	[tilespmem:$0xFA0] =	vst v2  }
0x75: {  	[tilespmem:$0x13A0] =	vst v4  }
0x76: {  	[tilespmem:$0xFB0] =	vst v2  }
0x77: {  	[tilespmem:$0x13B0] =	vst v4  }
0x78: {  	[tilespmem:$0xFC0] =	vst v2  }
0x79: {  	[tilespmem:$0x13C0] =	vst v4  }
0x7a: {  	[tilespmem:$0xFD0] =	vst v2  }
0x7b: {  	[tilespmem:$0x13D0] =	vst v4  }
0x7c: {  	[tilespmem:$0xFE0] =	vst v2  }
0x7d: {  	[tilespmem:$0x13E0] =	vst v4  }
0x7e: {  	[tilespmem:$0xFF0] =	vst v2  }
0x7f: {  	[tilespmem:$0x13F0] =	vst v4  }
0x80: {  	[tilespmem:$0x1000] =	vst v2  }
0x81: {  	[tilespmem:$0x1400] =	vst v4  }
0x82: {  	[tilespmem:$0x1010] =	vst v2  }
0x83: {  	[tilespmem:$0x1410] =	vst v4  }
0x84: {  	[tilespmem:$0x1020] =	vst v2  }
0x85: {  	[tilespmem:$0x1420] =	vst v4  }
0x86: {  	[tilespmem:$0x1030] =	vst v2  }
0x87: {  	[tilespmem:$0x1430] =	vst v4  }
0x88: {  	[tilespmem:$0x1040] =	vst v2  }
0x89: {  	[tilespmem:$0x1440] =	vst v4  }
0x8a: {  	[tilespmem:$0x1050] =	vst v2  }
0x8b: {  	[tilespmem:$0x1450] =	vst v4  }
0x8c: {  	[tilespmem:$0x1060] =	vst v2  }
0x8d: {  	[tilespmem:$0x1460] =	vst v4  }
0x8e: {  	[tilespmem:$0x1070] =	vst v2  }
0x8f: {  	[tilespmem:$0x1470] =	vst v4  }
0x90: {  	[tilespmem:$0x1080] =	vst v2  }
0x91: {  	[tilespmem:$0x1480] =	vst v4  }
0x92: {  	[tilespmem:$0x1090] =	vst v2  }
0x93: {  	[tilespmem:$0x1490] =	vst v4  }
0x94: {  	[tilespmem:$0x10A0] =	vst v2  }
0x95: {  	[tilespmem:$0x14A0] =	vst v4  }
0x96: {  	[tilespmem:$0x10B0] =	vst v2  }
0x97: {  	[tilespmem:$0x14B0] =	vst v4  }
0x98: {  	[tilespmem:$0x10C0] =	vst v2  }
0x99: {  	[tilespmem:$0x14C0] =	vst v4  }
0x9a: {  	[tilespmem:$0x10D0] =	vst v2  }
0x9b: {  	[tilespmem:$0x14D0] =	vst v4  }
0x9c: {  	[tilespmem:$0x10E0] =	vst v2  }
0x9d: {  	[tilespmem:$0x14E0] =	vst v4  }
0x9e: {  	[tilespmem:$0x10F0] =	vst v2  }
0x9f: {  	[tilespmem:$0x14F0] =	vst v4  }
0xa0: {  	v6 =	vld [tilespmem:s5+$0x680]  }
0xa1: {  	v7 =	vld [tilespmem:$0xC90];
	_ =	sdelay $0x3  }
0xa2: {  	(v2sf) =	vpush v6, $0x0  }
0xa3: {  	(v2sf) =	vpush v7, $0xF;
	_ =	sdelay $0xd  }
0xa4: {  	s18 =	spop (v2sf)  }
0xa5: {  	s17 =	spop (v2sf)  }
0xa6: {  	s19 =	sadd.s32 $0x1, s17  }
0xa7: {  	p0 =	sge.s32 s18, s19  }
.Ltmp2:
0xa8: {  	_ = 	snop;
	(pc) =	sbr.rel @p0 .LBB2_13-.Ltmp2, $1  }
0xa9: {  	_ =	sdelay $0x3  }
.LBB2_2:
0xaa: {  	p2 =	sne.s32 s9, $0x1840  }
.Ltmp3:
0xab: {  	_ = 	snop;
	(pc) =	sbr.rel @!p2 .LBB2_4-.Ltmp3, $4  }
0xac: {  	_ = 	snop  }
0xad: {  	s19 =	sshra.s32 s9, $0x2  }
0xae: {  	v8 =	vld [tilespmem:s19+$0x680]  }
0xaf: {  	v6 =	vmov s18;
	v7 =	vimm.f32 $-1.000000020e+30;
	s20 =	sadd.s32 $0x40, s9;
	v9 =	vld [tilespmem:s19+$0x0]  }
.LBB2_3:
0xb0: {  	p0 =	sne.s32 s20, $0x1840  }
.Ltmp4:
0xb1: {  	_ = 	snop;
	(pc) =	sbr.rel @p0 .LBB2_3-.Ltmp4, $4  }
0xb2: {  	_ = 	snop  }
0xb3: {  	s21 =	sshra.s32 s20, $0x2;
	s20 =	sadd.s32 $0x40, s20;
	vm0 =	veq.s32 v8, v6  }
0xb4: {  	v8 =	vld [tilespmem:s21+$0x680];
	v10 =	vnsel vm0, $0xF149F2CA, v9  }
0xb5: {  	v9 =	vld [tilespmem:s21+$0x0];
	v7 =	vmax.f32 v7, v10  }
.LBB2_4:
0xb6: {  	_ =	sdelay $0x2  }
0xb7: {  	vm0 =	veq.s32 v8, v6  }
0xb8: {  	v8 =	vnsel vm0, $0xF149F2CA, v9  }
0xb9: {  	v7 =	vmax.f32 v7, v8  }
0xba: {  	v8 =	vperm.xlane v7, v0;
	_ =	sdelay $0x1  }
0xbb: {  	v7 =	vmax.f32 v7, v8  }
0xbc: {  	v8 =	vperm.xlane v7, v1;
	_ =	sdelay $0x1  }
0xbd: {  	v7 =	vmax.f32 v7, v8  }
0xbe: {  	v8 =	vperm.xlane v7, v3  }
.Ltmp5:
0xbf: {  	_ = 	snop;
	(pc) =	sbr.rel @!p2 .LBB2_5-.Ltmp5, $3  }
0xc0: {  	v7 =	vmax.f32 v7, v8  }
0xc1: {  	v8 =	vperm.xlane v7, v5;
	_ =	sdelay $0x1  }
0xc2: {  	s21 =	sadd.s32 $0x40, s9;
	p0 =	por $0x0, $0x0;
	p1 =	por $0x0, $0x0;
	v9 =	vld [tilespmem:s19+$0x0];
	v7 =	vmax.f32 v7, v8;
	v8 =	vimm.f32 $0.0e+00  }
0xc3: {  	_ =	sdelay $0x3  }
0xc4: {  	v9 =	vsub.f32 v9, v7;
	_ =	sdelay $0x1  }
0xc5: {  	v10 =	vmul.f32 $1.442695020e+00, v9;
	_ =	sdelay $0x1  }
0xc6: {  	(erf) = vpow2.f32 v10  }
0xc7: {  	p2 =	sne.s32 s21, $0x1840  }
.Ltmp6:
0xc8: {  	_ = 	snop;
	(pc) =	sbr.rel @!p2 .LBB2_7-.Ltmp6, $3  }
0xc9: {  	_ =	sdelay $0x1  }
0xca: {  	s20 =	sshra.s32 s21, $0x2  }
0xcb: {  	s22 =	sadd.s32 $0x40, s21;
	p0 =	por $0x1, $0x1;
	v9 =	vld [tilespmem:s20+$0x0]  }
0xcc: {  	_ =	sdelay $0x3  }
0xcd: {  	v9 =	vsub.f32 v9, v7;
	_ =	sdelay $0x1  }
0xce: {  	p2 =	sne.s32 s22, $0x1840;
	v11 =	vmul.f32 $1.442695020e+00, v9  }
.Ltmp7:
0xcf: {  	s21 =	sshra.s32 s22, $0x2;
	(pc) =	sbr.rel @!p2 .LBB2_9-.Ltmp7, $3  }
0xd0: {  	v9 =	vld [tilespmem:s21+$0x0];
	(erf) = vpow2.f32 v11  }
0xd1: {  	v10 =	vld [tilespmem:s19+$0x680];
	_ =	sdelay $0x1  }
0xd2: {  	s22 =	sadd.s32 $0x40, s22;
	p1 =	por $0x1, $0x1;
	v11 =	vimm.f32 $0.0e+00  }
.LBB2_10:
0xd3: {  	p2 =	sne.s32 s22, $0x1840  }
.Ltmp8:
0xd4: {  	s19 =	sshra.s32 s22, $0x2;
	s22 =	sadd.s32 $0x40, s22;
	v12 =	vsub.f32 v9, v7;
	(pc) =	sbr.rel @p2 .LBB2_10-.Ltmp8, $4  }
0xd5: {  	v9 =	vld [tilespmem:s19+$0x0];
	vm0 =	veq.s32 v10, v6;
	v13 =	vpop (erf)  }
0xd6: {  	v12 =	vmul.f32 $1.442695020e+00, v12;
	v10 =	vld [tilespmem:s20+$0x680];
	v13 =	vnsel vm0, $0x0, v13;
	s20 =	smov.u32 s21;
	s21 =	smov.u32 s19  }
0xd7: {  	v11 =	vadd.f32 v13, v11  }
0xd8: {  	(erf) = vpow2.f32 v12  }
0xd9: {  	s22 =	smov.u32 s20;
	s19 =	smov.u32 s21  }
.LBB2_12:
0xda: {  	v9 =	vsub.f32 v9, v7;
	_ =	sdelay $0x1  }
0xdb: {  	v9 =	vmul.f32 $1.442695020e+00, v9  }
0xdc: {  	v12 =	vld @p0 [tilespmem:s22+$0x680];
	_ =	sdelay $0x1  }
0xdd: {  	(erf) = vpow2.f32 v9  }
0xde: {  	vm0 =	veq.s32 @p1 v10, v6;
	v9 =	vpop @p1 (erf)  }
0xdf: {  	v9 =	vnsel @p1 vm0, $0x0, v9  }
0xe0: {  	v9 =	vadd.f32 @p1 v9, v11;
	v11 =	vpsel p0, v12, v0  }
0xe1: {  	v62 =	vld [tilespmem:s19+$0x680];
	_ =	sdelay $0x1  }
0xe2: {  	vm0 =	veq.s32 @p0 v11, v6;
	v11 =	vpop @p0 (erf)  }
0xe3: {  	v9 =	vpsel p1, v9, v8;
	v11 =	vnsel @p0 vm0, $0x0, v11  }
0xe4: {  	v9 =	vadd.f32 @p0 v11, v9  }
0xe5: {  	vm15 =	veq.s32 v62, v6;
	v6 =	vpop (erf)  }
0xe6: {  	v6 =	vnsel vm15, $0x0, v6;
	v63 =	vpsel p0, v9, v8  }
0xe7: {  	v6 =	vadd.f32 v6, v63;
	_ =	sdelay $0x1  }
0xe8: {  	v8 =	vperm.xlane v6, v0;
	_ =	sdelay $0x1  }
0xe9: {  	v6 =	vadd.f32 v8, v6;
	_ =	sdelay $0x1  }
0xea: {  	v8 =	vperm.xlane v6, v1;
	_ =	sdelay $0x1  }
0xeb: {  	v6 =	vadd.f32 v8, v6;
	_ =	sdelay $0x1  }
0xec: {  	v8 =	vperm.xlane v6, v3;
	_ =	sdelay $0x1  }
0xed: {  	v6 =	vadd.f32 v8, v6  }
0xee: {  	p0 =	sne.s32 s18, s17  }
.Ltmp9:
0xef: {  	v8 =	vperm.xlane v6, v5;
	(pc) =	sbr.rel @p0 .LBB2_2-.Ltmp9, $4  }
.Ltmp10:
0xf0: {  	_ = 	snop;
	(pc) =	sbr.rel @!p0 .LBB2_13-.Ltmp10, $4  }
0xf1: {  	s31 =	sshll.u32 s18, $0x4;
	v6 =	vadd.f32 v8, v6  }
0xf2: {  	s20 =	sadd.s32 $0x1, s18;
	[tilespmem:s31+$0xD00] =	vst v7  }
0xf3: {  	s18 =	smov.u32 s20;
	[tilespmem:s31+$0x1100] =	vst v6  }
0xf4: {  	_ = 	snop  }
.LBB2_5:
.Ltmp11:
0xf5: {  	(pc) =	sbr.rel .LBB2_12-.Ltmp11, $2  }
0xf6: {  	_ =	sdelay $0x2  }
0xf7: {  	v11 =	vimm.f32 $0.0e+00  }
.LBB2_7:
.Ltmp12:
0xf8: {  	(pc) =	sbr.rel .LBB2_12-.Ltmp12, $2  }
0xf9: {  	_ =	sdelay $0x2  }
0xfa: {  	s22 =	smov.u32 s19;
	s19 =	smov.u32 s20;
	v11 =	vimm.f32 $0.0e+00  }
.LBB2_9:
.Ltmp13:
0xfb: {  	(pc) =	sbr.rel .LBB2_12-.Ltmp13, $2  }
0xfc: {  	_ =	sdelay $0x2  }
0xfd: {  	s22 =	smov.u32 s20;
	s19 =	smov.u32 s21;
	v11 =	vimm.f32 $0.0e+00  }
.LBB2_14:
0xfe: {  	_ =	sfence.sel $0x180000  }
0xff: {  	[bflag:$0x0] =	sbarrier.arrive $0xFFFF  }
0x100: {  	p0 =	sne.s32 s1, $0x0;
	_ =	strace $0x90000047  }
0x101: {  	s0 =	sadd.s32 @!p0 $0x100000, s0;
	[bflag:$0x2] =	sbarrier.arrive $0xFFFF  }
0x102: {  	[sflag:s0] =	ssyncadd.tile.s32 @!p0 $0x1;
	_ =	shalt  }
.Lfunc_end2:
_tile_overlayer_lowered:
.L_overlay_start_2:
0x103: {  	(tag) =	ssettag $0x2  }
0x104: {  	s0 =	rddreg [dreg:$0x0];
	s2 =	stileid.u32  }
0x105: {  	s1 =	rddreg [dreg:$0x1];
	p0 =	sne.s32 s2, $0x0  }
0x106: {  	s3 =	rddreg [dreg:$0x2];
	[bflag:$0x3] =	sbarrier.arrive $0xFFFF;
	s2 =	simm.s32 @!p0 $0x1C01  }
0x107: {  	[timem:s3], [sflag:s2] =	dma.local @!p0 [hbm:s0], s1  }
0x108: {  	s0 =	simm.s32 @!p0 $0x1  }
0x109: {  	_ =	swait.ge @!p0 [sflag:s0], s1  }
0x10a: {  	s1 =	ssub.s32 @!p0 $0x0, s1;
	[sflag:s0] =	ssyncset.done @!p0 $0x0  }
0x10b: {  	[sflag:s0] =	ssyncadd.s32 @!p0 s1  }
0x10c: {  	[bflag:$0x3] =	sbarrier.arrive $0xFFFF  }
0x10d: {  	_ =	shalt  }

</sc_bundles>
